<compile_context>
chip_gen: v7x
topology: tpu7x:2x2x1
jax: 0.10.2.dev20260603
libtpu: 0.0.44.dev20260713+nightly
codegen_flags: <defaults>
</compile_context>

<pallas_src>
import functools

import jax
import jax.numpy as jnp
from jax import lax
from jax.experimental import pallas as pl
from jax.experimental.pallas import tpu as pltpu
from jax.experimental.pallas import tpu_sc as plsc

N = 10000
E = 320000
D_IN = 128
HID = 64
D_OUT = 2

NC = 2
NS = 16
NW = NC * NS
CHUNK = 128
EPW = 10240
NCH = EPW // CHUNK
N_PAD = 10112
RPT = N_PAD // NS
DEG_W = 8
DP = 8
BR = 1000


def _sc_mesh():
  return plsc.VectorSubcoreMesh(core_axis_name="c", subcore_axis_name="s",
                                num_cores=NC, num_subcores=NS)



@functools.partial(
    pl.kernel,
    out_type=jax.ShapeDtypeStruct((NC, N_PAD, DEG_W), jnp.float32),
    mesh=_sc_mesh(),
    compiler_params=pltpu.CompilerParams(use_tc_tiling_on_sc=False),
    scratch_types=[
        pltpu.VMEM((NCH, CHUNK), jnp.int32),
        pltpu.VMEM((CHUNK, DEG_W), jnp.float32),
        pltpu.VMEM_SHARED((N_PAD, DEG_W), jnp.float32),
    ],
)
def _deg_kernel(dst_hbm, ones_hbm, zeros_hbm, out_hbm, didx_v, ones_v, acc_sh):
  c = lax.axis_index("c")
  s = lax.axis_index("s")
  wid = s * NC + c
  pltpu.sync_copy(dst_hbm.at[pl.ds(wid * NCH, NCH)], didx_v)
  pltpu.sync_copy(ones_hbm, ones_v)
  pltpu.sync_copy(zeros_hbm.at[pl.ds(s * RPT, RPT)],
                  acc_sh.at[pl.ds(s * RPT, RPT)])
  plsc.subcore_barrier()

  @pl.loop(0, NCH)
  def _(j):
    pltpu.sync_copy(ones_v, acc_sh.at[didx_v.at[j]], add=True)

  plsc.subcore_barrier()
  pltpu.sync_copy(acc_sh.at[pl.ds(s * RPT, RPT)],
                  out_hbm.at[c, pl.ds(s * RPT, RPT)])


def _make_propagate(D):
  @functools.partial(
      pl.kernel,
      out_type=jax.ShapeDtypeStruct((NC, N_PAD, D), jnp.float32),
      mesh=_sc_mesh(),
      compiler_params=pltpu.CompilerParams(use_tc_tiling_on_sc=False),
      scratch_types=[
          pltpu.VMEM((NCH + 1, CHUNK), jnp.int32),
          pltpu.VMEM((NCH, CHUNK), jnp.int32),
          pltpu.VMEM((CHUNK, D), jnp.float32),
          pltpu.VMEM((CHUNK, D), jnp.float32),
          pltpu.VMEM_SHARED((N, D), jnp.float32),
          pltpu.VMEM_SHARED((N_PAD, D), jnp.float32),
          pltpu.SemaphoreType.DMA,
          pltpu.SemaphoreType.DMA,
      ],
  )
  def _propagate(table_hbm, src_hbm, dst_hbm, zeros_hbm, out_hbm,
                 sidx_v, didx_v, rows_a, rows_b,
                 table_sh, acc_sh, sem_a, sem_b):
    c = lax.axis_index("c")
    s = lax.axis_index("s")
    wid = s * NC + c
    pltpu.sync_copy(src_hbm.at[pl.ds(wid * NCH, NCH)],
                    sidx_v.at[pl.ds(0, NCH)])
    pltpu.sync_copy(dst_hbm.at[pl.ds(wid * NCH, NCH)], didx_v)
    for k in range(CHUNK // 16):
      sidx_v[NCH, pl.ds(k * 16, 16)] = jnp.zeros((16,), jnp.int32)
    pltpu.sync_copy(table_hbm.at[pl.ds(s * (N // NS), N // NS)],
                    table_sh.at[pl.ds(s * (N // NS), N // NS)])
    pltpu.sync_copy(zeros_hbm.at[pl.ds(s * RPT, RPT)],
                    acc_sh.at[pl.ds(s * RPT, RPT)])
    plsc.subcore_barrier()

    pltpu.async_copy(table_sh.at[sidx_v.at[0]], rows_a, sem_a)

    @pl.loop(0, NCH, step=2)
    def _(j):
      pltpu.async_copy(table_sh.at[sidx_v.at[j + 1]], rows_b, sem_b)
      pltpu.make_async_copy(table_sh.at[sidx_v.at[j]], rows_a, sem_a).wait()
      pltpu.sync_copy(rows_a, acc_sh.at[didx_v.at[j]], add=True)
      pltpu.async_copy(table_sh.at[sidx_v.at[j + 2]], rows_a, sem_a)
      pltpu.make_async_copy(table_sh.at[sidx_v.at[j + 1]], rows_b,
                            sem_b).wait()
      pltpu.sync_copy(rows_b, acc_sh.at[didx_v.at[j + 1]], add=True)

    pltpu.make_async_copy(table_sh.at[sidx_v.at[NCH]], rows_a, sem_a).wait()
    plsc.subcore_barrier()
    pltpu.sync_copy(acc_sh.at[pl.ds(s * RPT, RPT)],
                    out_hbm.at[c, pl.ds(s * RPT, RPT)])

  return _propagate


_propagate64 = _make_propagate(HID)
_propagate8 = _make_propagate(DP)



def _tc1_body(deg_ref, x_ref, w1_ref, hs_ref, dinv_ref):
  deg = deg_ref[0, :, 0:1] + deg_ref[1, :, 0:1] + 1.0
  dinv = lax.rsqrt(deg)
  h = jnp.dot(x_ref[...], w1_ref[...], preferred_element_type=jnp.float32)
  hs_ref[...] = h * dinv
  dinv_ref[...] = dinv


def _tc1(deg_p, x, W1):
  grid = (N // BR,)
  return pl.pallas_call(
      _tc1_body,
      grid=grid,
      in_specs=[
          pl.BlockSpec((NC, BR, DEG_W), lambda i: (0, i, 0)),
          pl.BlockSpec((BR, D_IN), lambda i: (i, 0)),
          pl.BlockSpec((D_IN, HID), lambda i: (0, 0)),
      ],
      out_specs=[
          pl.BlockSpec((BR, HID), lambda i: (i, 0)),
          pl.BlockSpec((BR, 1), lambda i: (i, 0)),
      ],
      out_shape=[
          jax.ShapeDtypeStruct((N, HID), jnp.float32),
          jax.ShapeDtypeStruct((N, 1), jnp.float32),
      ],
  )(deg_p, x, W1)


def _tc2_body(acc_ref, hs1_ref, dinv_ref, b1_ref, w2_ref, hs2_ref):
  acc = acc_ref[0] + acc_ref[1]
  dinv = dinv_ref[...]
  out1 = jnp.maximum((acc + hs1_ref[...]) * dinv + b1_ref[...], 0.0)
  h2 = jnp.dot(out1, w2_ref[...], preferred_element_type=jnp.float32)
  hs2_ref[...] = h2 * dinv


def _tc2(acc1, hs1, dinv, b1, W2):
  grid = (N // BR,)
  return pl.pallas_call(
      _tc2_body,
      grid=grid,
      in_specs=[
          pl.BlockSpec((NC, BR, HID), lambda i: (0, i, 0)),
          pl.BlockSpec((BR, HID), lambda i: (i, 0)),
          pl.BlockSpec((BR, 1), lambda i: (i, 0)),
          pl.BlockSpec((1, HID), lambda i: (0, 0)),
          pl.BlockSpec((HID, DP), lambda i: (0, 0)),
      ],
      out_specs=pl.BlockSpec((BR, DP), lambda i: (i, 0)),
      out_shape=jax.ShapeDtypeStruct((N, DP), jnp.float32),
  )(acc1, hs1, dinv, b1, W2)


def _tc3_body(acc_ref, hs2_ref, dinv_ref, b2_ref, out_ref):
  acc = acc_ref[0, :, 0:D_OUT] + acc_ref[1, :, 0:D_OUT]
  out_ref[...] = (acc + hs2_ref[:, 0:D_OUT]) * dinv_ref[...] + b2_ref[...]


def _tc3(acc2, hs2, dinv, b2):
  grid = (N // BR,)
  return pl.pallas_call(
      _tc3_body,
      grid=grid,
      in_specs=[
          pl.BlockSpec((NC, BR, DP), lambda i: (0, i, 0)),
          pl.BlockSpec((BR, DP), lambda i: (i, 0)),
          pl.BlockSpec((BR, 1), lambda i: (i, 0)),
          pl.BlockSpec((1, D_OUT), lambda i: (0, 0)),
      ],
      out_specs=pl.BlockSpec((BR, D_OUT), lambda i: (i, 0)),
      out_shape=jax.ShapeDtypeStruct((N, D_OUT), jnp.float32),
  )(acc2, hs2, dinv, b2)



def kernel(x, edge_index, W1, b1, W2, b2):
  src = edge_index[0].astype(jnp.int32).reshape(NW, E // NW)
  dst = edge_index[1].astype(jnp.int32).reshape(NW, E // NW)
  pad = EPW - E // NW
  src = jnp.pad(src, ((0, 0), (0, pad))).reshape(NW * NCH, CHUNK)
  dst = jnp.pad(dst, ((0, 0), (0, pad)), constant_values=N).reshape(
      NW * NCH, CHUNK)

  ones_b = jnp.ones((CHUNK, DEG_W), jnp.float32)
  zeros_deg = jnp.zeros((N_PAD, DEG_W), jnp.float32)
  zeros_h = jnp.zeros((N_PAD, HID), jnp.float32)
  zeros_o = jnp.zeros((N_PAD, DP), jnp.float32)

  deg_p = _deg_kernel(dst, ones_b, zeros_deg)
  hs1, dinv = _tc1(deg_p, x, W1)
  acc1 = _propagate64(hs1, src, dst, zeros_h)
  W2p = jnp.pad(W2, ((0, 0), (0, DP - D_OUT)))
  hs2 = _tc2(acc1, hs1, dinv, b1.reshape(1, HID), W2p)
  acc2 = _propagate8(hs2, src, dst, zeros_o)
  return _tc3(acc2, hs2, dinv, b2.reshape(1, D_OUT))

# --- scband reference (transcript-rebuilt; emitter-appended) ---
"""Pipeline reference for scband-gnn-18124761989696 (READ-ONLY COPY).

The authoritative reference and input builder live on the scoring server;
editing this copy changes nothing except your own understanding.
"""

import jax, jax.numpy as jnp
import numpy as np

N = 10000
E = 320000
D_IN = 128
HIDDEN = 64
D_OUT = 2


def gcn_conv(x, edge_index, W, b):
    n = x.shape[0]
    loop = jnp.arange(n, dtype=edge_index.dtype)
    src = jnp.concatenate([edge_index[0], loop])
    dst = jnp.concatenate([edge_index[1], loop])
    deg = jax.ops.segment_sum(jnp.ones_like(src, dtype=x.dtype), dst, num_segments=n)
    dinv = jnp.where(deg > 0, jax.lax.rsqrt(jnp.maximum(deg, 1e-12)), 0.0)
    norm = dinv[src] * dinv[dst]
    h = x @ W
    msg = jnp.take(h, src, axis=0) * norm[:, None]
    out = jax.ops.segment_sum(msg, dst, num_segments=n)
    return out + b


def setup_inputs(seed: int = 0) -> dict:
    key = jax.random.key(seed)
    k1, k2, k3, k4, k5, k6 = jax.random.split(key, 6)
    x = jax.random.normal(k1, (N, D_IN), dtype=jnp.float32)
    edge_index = jax.random.randint(k2, (2, E), 0, N).astype(jnp.int64)
    W1 = jax.random.normal(k3, (D_IN, HIDDEN), dtype=jnp.float32) * (1.0 / np.sqrt(D_IN))
    b1 = jnp.zeros((HIDDEN,), dtype=jnp.float32)
    W2 = jax.random.normal(k4, (HIDDEN, D_OUT), dtype=jnp.float32) * (1.0 / np.sqrt(HIDDEN))
    b2 = jnp.zeros((D_OUT,), dtype=jnp.float32)
    return {"x": x, "edge_index": edge_index, "W1": W1, "b1": b1, "W2": W2, "b2": b2}


def reference(x, edge_index, W1, b1, W2, b2):
    h = jax.nn.relu(gcn_conv(x, edge_index, W1, b1))
    # dropout p=0.3 is identity at inference (training=False)
    out = gcn_conv(h, edge_index, W2, b2)
    return out

if __name__ == "__main__":
    import jax
    _d = setup_inputs()
    print(jax.jit(kernel)(*tuple(_d.values())))

</pallas_src>

<mosaic_0001>
#map = affine_map<(d0, d1) -> (0, 0)>
#map1 = affine_map<(d0, d1) -> (0, 0, 0)>
module attributes {stable_mosaic.version = 14 : i64} {
  func.func @_deg_kernel(%arg0: i32, %arg1: i32, %arg2: memref<2560x128xi32, #tpu.memory_space<hbm>>, %arg3: memref<128x8xf32, #tpu.memory_space<hbm>>, %arg4: memref<10112x8xf32, #tpu.memory_space<hbm>>, %arg5: memref<2x10112x8xf32, #tpu.memory_space<hbm>>, %arg6: memref<80x128xi32, #tpu.memory_space<vmem>>, %arg7: memref<128x8xf32, #tpu.memory_space<vmem>>, %arg8: memref<10112x8xf32, #tpu.memory_space<vmem_shared>>) attributes {dimension_semantics = [#tpu.dimension_semantics<core_parallel>, #tpu.dimension_semantics<subcore_parallel>], iteration_bounds = array<i64: 2, 16>, scalar_prefetch = 0 : i64, scratch_operands = 3 : i64, tpu.core_type = #tpu.core_type<sc_vector_subcore>, window_params = [{transform_indices = #map}, {transform_indices = #map}, {transform_indices = #map}, {transform_indices = #map1}]} {
    %mul3A = arith.constant 2 : i32
    %mul3A_0 = arith.muli %arg1, %mul3A : i32
    %add3A = arith.addi %mul3A_0, %arg0 : i32
    %mul3A_1 = arith.constant 80 : i32
    %mul3A_2 = arith.muli %add3A, %mul3A_1 : i32
    "tpu.region"() ({
      %run_scoped3A = tpu.sem_alloc : memref<!tpu.dma_semaphore, #tpu.memory_space<semaphore_mem>>
      %dma_start3A = arith.constant 0 : i32
      %dma_start3A_16 = tpu.memref_slice %arg2[%mul3A_2, %dma_start3A] : memref<2560x128xi32, #tpu.memory_space<hbm>> -> memref<80x128xi32, #tpu.memory_space<hbm>>
      %dma_start3A_17 = arith.constant 0 : i32
      %dma_start3A_18 = tpu.memref_slice %arg2[%mul3A_2, %dma_start3A_17] : memref<2560x128xi32, #tpu.memory_space<hbm>> -> memref<80x128xi32, #tpu.memory_space<hbm>>
      tpu.enqueue_dma source(%dma_start3A_18 : memref<80x128xi32, #tpu.memory_space<hbm>>) target(%arg6 : memref<80x128xi32, #tpu.memory_space<vmem>>) target_semaphore(%run_scoped3A : memref<!tpu.dma_semaphore, #tpu.memory_space<semaphore_mem>>)
      %dma_wait3A = arith.constant 0 : i32
      %dma_wait3A_19 = tpu.memref_slice %arg2[%mul3A_2, %dma_wait3A] : memref<2560x128xi32, #tpu.memory_space<hbm>> -> memref<80x128xi32, #tpu.memory_space<hbm>>
      %dma_wait3A_20 = arith.constant 0 : i32
      %dma_wait3A_21 = tpu.memref_slice %arg2[%mul3A_2, %dma_wait3A_20] : memref<2560x128xi32, #tpu.memory_space<hbm>> -> memref<80x128xi32, #tpu.memory_space<hbm>>
      tpu.wait_dma2 semaphore(%run_scoped3A : memref<!tpu.dma_semaphore, #tpu.memory_space<semaphore_mem>>) src(%dma_wait3A_21 : memref<80x128xi32, #tpu.memory_space<hbm>>) dst(%arg6 : memref<80x128xi32, #tpu.memory_space<vmem>>)
      tpu.yield
    }) : () -> ()
    "tpu.region"() ({
      %run_scoped3A = tpu.sem_alloc : memref<!tpu.dma_semaphore, #tpu.memory_space<semaphore_mem>>
      tpu.enqueue_dma source(%arg3 : memref<128x8xf32, #tpu.memory_space<hbm>>) target(%arg7 : memref<128x8xf32, #tpu.memory_space<vmem>>) target_semaphore(%run_scoped3A : memref<!tpu.dma_semaphore, #tpu.memory_space<semaphore_mem>>)
      tpu.wait_dma2 semaphore(%run_scoped3A : memref<!tpu.dma_semaphore, #tpu.memory_space<semaphore_mem>>) src(%arg3 : memref<128x8xf32, #tpu.memory_space<hbm>>) dst(%arg7 : memref<128x8xf32, #tpu.memory_space<vmem>>)
      tpu.yield
    }) : () -> ()
    %mul3A_3 = arith.constant 632 : i32
    %mul3A_4 = arith.muli %arg1, %mul3A_3 : i32
    %mul3A_5 = arith.constant 632 : i32
    %mul3A_6 = arith.muli %arg1, %mul3A_5 : i32
    "tpu.region"() ({
      %run_scoped3A = tpu.sem_alloc : memref<!tpu.dma_semaphore, #tpu.memory_space<semaphore_mem>>
      %dma_start3A = arith.constant 0 : i32
      %dma_start3A_16 = tpu.memref_slice %arg8[%mul3A_6, %dma_start3A] : memref<10112x8xf32, #tpu.memory_space<vmem_shared>> -> memref<632x8xf32, #tpu.memory_space<vmem_shared>>
      %dma_start3A_17 = arith.constant 0 : i32
      %dma_start3A_18 = tpu.memref_slice %arg4[%mul3A_4, %dma_start3A_17] : memref<10112x8xf32, #tpu.memory_space<hbm>> -> memref<632x8xf32, #tpu.memory_space<hbm>>
      tpu.enqueue_dma source(%dma_start3A_18 : memref<632x8xf32, #tpu.memory_space<hbm>>) target(%dma_start3A_16 : memref<632x8xf32, #tpu.memory_space<vmem_shared>>) target_semaphore(%run_scoped3A : memref<!tpu.dma_semaphore, #tpu.memory_space<semaphore_mem>>)
      %dma_wait3A = arith.constant 0 : i32
      %dma_wait3A_19 = tpu.memref_slice %arg8[%mul3A_6, %dma_wait3A] : memref<10112x8xf32, #tpu.memory_space<vmem_shared>> -> memref<632x8xf32, #tpu.memory_space<vmem_shared>>
      %dma_wait3A_20 = arith.constant 0 : i32
      %dma_wait3A_21 = tpu.memref_slice %arg4[%mul3A_4, %dma_wait3A_20] : memref<10112x8xf32, #tpu.memory_space<hbm>> -> memref<632x8xf32, #tpu.memory_space<hbm>>
      tpu.wait_dma2 semaphore(%run_scoped3A : memref<!tpu.dma_semaphore, #tpu.memory_space<semaphore_mem>>) src(%dma_wait3A_21 : memref<632x8xf32, #tpu.memory_space<hbm>>) dst(%dma_wait3A_19 : memref<632x8xf32, #tpu.memory_space<vmem_shared>>)
      tpu.yield
    }) : () -> ()
    %barrier3A = arith.constant 0 : index
    tpu.barrier barrier_id(%barrier3A)
    %scan3A = arith.constant 0 : i32
    %scan3A_7 = arith.constant 80 : i32
    %scan3A_8 = arith.addi %scan3A, %scan3A_7 : i32
    %scan3A_9 = arith.constant 1 : i32
    scf.for %scan3A_16 = %scan3A to %scan3A_8 step %scan3A_9  : i32 {
      %mul3A_17 = arith.constant 1 : i32
      %mul3A_18 = arith.muli %scan3A_16, %mul3A_17 : i32
      %add3A_19 = arith.constant 0 : i32
      %add3A_20 = arith.addi %add3A_19, %mul3A_18 : i32
      "tpu.region"() ({
        %run_scoped3A = tpu.sem_alloc : memref<!tpu.dma_semaphore, #tpu.memory_space<semaphore_mem>>
        %dma_start3A = arith.constant 0 : i32
        %dma_start3A_21 = tpu.memref_slice %arg6[%add3A_20, %dma_start3A] : memref<80x128xi32, #tpu.memory_space<vmem>> -> memref<1x128xi32, #tpu.memory_space<vmem>>
        %dma_start3A_22 = tpu.memref_squeeze %dma_start3A_21 : memref<1x128xi32, #tpu.memory_space<vmem>> -> memref<128xi32, #tpu.memory_space<vmem>>
        %dma_start3A_23 = arith.constant 0 : i32
        %dma_start3A_24 = arith.constant 0 : i32
        %dma_start3A_25 = tpu.memref_slice %arg8[%dma_start3A_23, %dma_start3A_24] : memref<10112x8xf32, #tpu.memory_space<vmem_shared>> -> memref<10112x8xf32, #tpu.memory_space<vmem_shared>>
        tpu.enqueue_indirect_dma source(%arg7 : memref<128x8xf32, #tpu.memory_space<vmem>>) target(%dma_start3A_25 : memref<10112x8xf32, #tpu.memory_space<vmem_shared>>) offsets(%dma_start3A_22 : memref<128xi32, #tpu.memory_space<vmem>>) semaphore(%run_scoped3A : memref<!tpu.dma_semaphore, #tpu.memory_space<semaphore_mem>>) {add = true}
        %dma_wait3A = arith.constant 0 : i32
        %dma_wait3A_26 = tpu.memref_slice %arg6[%add3A_20, %dma_wait3A] : memref<80x128xi32, #tpu.memory_space<vmem>> -> memref<1x128xi32, #tpu.memory_space<vmem>>
        %dma_wait3A_27 = tpu.memref_squeeze %dma_wait3A_26 : memref<1x128xi32, #tpu.memory_space<vmem>> -> memref<128xi32, #tpu.memory_space<vmem>>
        %dma_wait3A_28 = arith.constant 0 : i32
        %dma_wait3A_29 = arith.constant 0 : i32
        %dma_wait3A_30 = tpu.memref_slice %arg8[%dma_wait3A_28, %dma_wait3A_29] : memref<10112x8xf32, #tpu.memory_space<vmem_shared>> -> memref<10112x8xf32, #tpu.memory_space<vmem_shared>>
        tpu.wait_indirect_dma semaphore(%run_scoped3A : memref<!tpu.dma_semaphore, #tpu.memory_space<semaphore_mem>>) src(%arg7 : memref<128x8xf32, #tpu.memory_space<vmem>>) dst(%dma_wait3A_30 : memref<10112x8xf32, #tpu.memory_space<vmem_shared>>)
        tpu.yield
      }) : () -> ()
    }
    %scan3A_10 = arith.constant 80 : i32
    %barrier3A_11 = arith.constant 0 : index
    tpu.barrier barrier_id(%barrier3A_11)
    %mul3A_12 = arith.constant 632 : i32
    %mul3A_13 = arith.muli %arg1, %mul3A_12 : i32
    %mul3A_14 = arith.constant 632 : i32
    %mul3A_15 = arith.muli %arg1, %mul3A_14 : i32
    "tpu.region"() ({
      %run_scoped3A = tpu.sem_alloc : memref<!tpu.dma_semaphore, #tpu.memory_space<semaphore_mem>>
      %dma_start3A = arith.constant 0 : i32
      %dma_start3A_16 = tpu.memref_slice %arg5[%arg0, %mul3A_15, %dma_start3A] : memref<2x10112x8xf32, #tpu.memory_space<hbm>> -> memref<1x632x8xf32, #tpu.memory_space<hbm>>
      %dma_start3A_17 = tpu.memref_squeeze %dma_start3A_16 : memref<1x632x8xf32, #tpu.memory_space<hbm>> -> memref<632x8xf32, #tpu.memory_space<hbm>>
      %dma_start3A_18 = arith.constant 0 : i32
      %dma_start3A_19 = tpu.memref_slice %arg8[%mul3A_13, %dma_start3A_18] : memref<10112x8xf32, #tpu.memory_space<vmem_shared>> -> memref<632x8xf32, #tpu.memory_space<vmem_shared>>
      tpu.enqueue_dma source(%dma_start3A_19 : memref<632x8xf32, #tpu.memory_space<vmem_shared>>) target(%dma_start3A_17 : memref<632x8xf32, #tpu.memory_space<hbm>>) target_semaphore(%run_scoped3A : memref<!tpu.dma_semaphore, #tpu.memory_space<semaphore_mem>>)
      %dma_wait3A = arith.constant 0 : i32
      %dma_wait3A_20 = tpu.memref_slice %arg5[%arg0, %mul3A_15, %dma_wait3A] : memref<2x10112x8xf32, #tpu.memory_space<hbm>> -> memref<1x632x8xf32, #tpu.memory_space<hbm>>
      %dma_wait3A_21 = tpu.memref_squeeze %dma_wait3A_20 : memref<1x632x8xf32, #tpu.memory_space<hbm>> -> memref<632x8xf32, #tpu.memory_space<hbm>>
      %dma_wait3A_22 = arith.constant 0 : i32
      %dma_wait3A_23 = tpu.memref_slice %arg8[%mul3A_13, %dma_wait3A_22] : memref<10112x8xf32, #tpu.memory_space<vmem_shared>> -> memref<632x8xf32, #tpu.memory_space<vmem_shared>>
      tpu.wait_dma2 semaphore(%run_scoped3A : memref<!tpu.dma_semaphore, #tpu.memory_space<semaphore_mem>>) src(%dma_wait3A_23 : memref<632x8xf32, #tpu.memory_space<vmem_shared>>) dst(%dma_wait3A_21 : memref<632x8xf32, #tpu.memory_space<hbm>>)
      tpu.yield
    }) : () -> ()
    return
  }
}

#map = affine_map<(d0, d1) -> (0, 0)>
#map1 = affine_map<(d0, d1) -> (0, 0, 0)>
module attributes {stable_mosaic.version = 14 : i64} {
  func.func @_propagate(%arg0: i32, %arg1: i32, %arg2: memref<10000x64xf32, #tpu.memory_space<hbm>>, %arg3: memref<2560x128xi32, #tpu.memory_space<hbm>>, %arg4: memref<2560x128xi32, #tpu.memory_space<hbm>>, %arg5: memref<10112x64xf32, #tpu.memory_space<hbm>>, %arg6: memref<2x10112x64xf32, #tpu.memory_space<hbm>>, %arg7: memref<81x128xi32, #tpu.memory_space<vmem>>, %arg8: memref<80x128xi32, #tpu.memory_space<vmem>>, %arg9: memref<128x64xf32, #tpu.memory_space<vmem>>, %arg10: memref<128x64xf32, #tpu.memory_space<vmem>>, %arg11: memref<10000x64xf32, #tpu.memory_space<vmem_shared>>, %arg12: memref<10112x64xf32, #tpu.memory_space<vmem_shared>>, %arg13: memref<!tpu.dma_semaphore, #tpu.memory_space<semaphore_mem>>, %arg14: memref<!tpu.dma_semaphore, #tpu.memory_space<semaphore_mem>>) attributes {dimension_semantics = [#tpu.dimension_semantics<core_parallel>, #tpu.dimension_semantics<subcore_parallel>], iteration_bounds = array<i64: 2, 16>, scalar_prefetch = 0 : i64, scratch_operands = 8 : i64, tpu.core_type = #tpu.core_type<sc_vector_subcore>, window_params = [{transform_indices = #map}, {transform_indices = #map}, {transform_indices = #map}, {transform_indices = #map}, {transform_indices = #map1}]} {
    %mul3A = arith.constant 2 : i32
    %mul3A_0 = arith.muli %arg1, %mul3A : i32
    %add3A = arith.addi %mul3A_0, %arg0 : i32
    %mul3A_1 = arith.constant 80 : i32
    %mul3A_2 = arith.muli %add3A, %mul3A_1 : i32
    "tpu.region"() ({
      %run_scoped3A = tpu.sem_alloc : memref<!tpu.dma_semaphore, #tpu.memory_space<semaphore_mem>>
      %dma_start3A_96 = arith.constant 0 : i32
      %dma_start3A_97 = arith.constant 0 : i32
      %dma_start3A_98 = tpu.memref_slice %arg7[%dma_start3A_96, %dma_start3A_97] : memref<81x128xi32, #tpu.memory_space<vmem>> -> memref<80x128xi32, #tpu.memory_space<vmem>>
      %dma_start3A_99 = arith.constant 0 : i32
      %dma_start3A_100 = tpu.memref_slice %arg3[%mul3A_2, %dma_start3A_99] : memref<2560x128xi32, #tpu.memory_space<hbm>> -> memref<80x128xi32, #tpu.memory_space<hbm>>
      %dma_start3A_101 = arith.constant 0 : i32
      %dma_start3A_102 = arith.constant 0 : i32
      %dma_start3A_103 = tpu.memref_slice %arg7[%dma_start3A_101, %dma_start3A_102] : memref<81x128xi32, #tpu.memory_space<vmem>> -> memref<80x128xi32, #tpu.memory_space<vmem>>
      %dma_start3A_104 = arith.constant 0 : i32
      %dma_start3A_105 = tpu.memref_slice %arg3[%mul3A_2, %dma_start3A_104] : memref<2560x128xi32, #tpu.memory_space<hbm>> -> memref<80x128xi32, #tpu.memory_space<hbm>>
      tpu.enqueue_dma source(%dma_start3A_105 : memref<80x128xi32, #tpu.memory_space<hbm>>) target(%dma_start3A_103 : memref<80x128xi32, #tpu.memory_space<vmem>>) target_semaphore(%run_scoped3A : memref<!tpu.dma_semaphore, #tpu.memory_space<semaphore_mem>>)
      %dma_wait3A_106 = arith.constant 0 : i32
      %dma_wait3A_107 = arith.constant 0 : i32
      %dma_wait3A_108 = tpu.memref_slice %arg7[%dma_wait3A_106, %dma_wait3A_107] : memref<81x128xi32, #tpu.memory_space<vmem>> -> memref<80x128xi32, #tpu.memory_space<vmem>>
      %dma_wait3A_109 = arith.constant 0 : i32
      %dma_wait3A_110 = tpu.memref_slice %arg3[%mul3A_2, %dma_wait3A_109] : memref<2560x128xi32, #tpu.memory_space<hbm>> -> memref<80x128xi32, #tpu.memory_space<hbm>>
      %dma_wait3A_111 = arith.constant 0 : i32
      %dma_wait3A_112 = arith.constant 0 : i32
      %dma_wait3A_113 = tpu.memref_slice %arg7[%dma_wait3A_111, %dma_wait3A_112] : memref<81x128xi32, #tpu.memory_space<vmem>> -> memref<80x128xi32, #tpu.memory_space<vmem>>
      %dma_wait3A_114 = arith.constant 0 : i32
      %dma_wait3A_115 = tpu.memref_slice %arg3[%mul3A_2, %dma_wait3A_114] : memref<2560x128xi32, #tpu.memory_space<hbm>> -> memref<80x128xi32, #tpu.memory_space<hbm>>
      tpu.wait_dma2 semaphore(%run_scoped3A : memref<!tpu.dma_semaphore, #tpu.memory_space<semaphore_mem>>) src(%dma_wait3A_115 : memref<80x128xi32, #tpu.memory_space<hbm>>) dst(%dma_wait3A_113 : memref<80x128xi32, #tpu.memory_space<vmem>>)
      tpu.yield
    }) : () -> ()
    %mul3A_3 = arith.constant 80 : i32
    %mul3A_4 = arith.muli %add3A, %mul3A_3 : i32
    "tpu.region"() ({
      %run_scoped3A = tpu.sem_alloc : memref<!tpu.dma_semaphore, #tpu.memory_space<semaphore_mem>>
      %dma_start3A_96 = arith.constant 0 : i32
      %dma_start3A_97 = tpu.memref_slice %arg4[%mul3A_4, %dma_start3A_96] : memref<2560x128xi32, #tpu.memory_space<hbm>> -> memref<80x128xi32, #tpu.memory_space<hbm>>
      %dma_start3A_98 = arith.constant 0 : i32
      %dma_start3A_99 = tpu.memref_slice %arg4[%mul3A_4, %dma_start3A_98] : memref<2560x128xi32, #tpu.memory_space<hbm>> -> memref<80x128xi32, #tpu.memory_space<hbm>>
      tpu.enqueue_dma source(%dma_start3A_99 : memref<80x128xi32, #tpu.memory_space<hbm>>) target(%arg8 : memref<80x128xi32, #tpu.memory_space<vmem>>) target_semaphore(%run_scoped3A : memref<!tpu.dma_semaphore, #tpu.memory_space<semaphore_mem>>)
      %dma_wait3A_100 = arith.constant 0 : i32
      %dma_wait3A_101 = tpu.memref_slice %arg4[%mul3A_4, %dma_wait3A_100] : memref<2560x128xi32, #tpu.memory_space<hbm>> -> memref<80x128xi32, #tpu.memory_space<hbm>>
      %dma_wait3A_102 = arith.constant 0 : i32
      %dma_wait3A_103 = tpu.memref_slice %arg4[%mul3A_4, %dma_wait3A_102] : memref<2560x128xi32, #tpu.memory_space<hbm>> -> memref<80x128xi32, #tpu.memory_space<hbm>>
      tpu.wait_dma2 semaphore(%run_scoped3A : memref<!tpu.dma_semaphore, #tpu.memory_space<semaphore_mem>>) src(%dma_wait3A_103 : memref<80x128xi32, #tpu.memory_space<hbm>>) dst(%arg8 : memref<80x128xi32, #tpu.memory_space<vmem>>)
      tpu.yield
    }) : () -> ()
    %broadcast_in_dim3A = arith.constant 0 : i32
    %broadcast_in_dim3A_5 = vector.broadcast %broadcast_in_dim3A : i32 to vector<16xi32>
    %swap3A = arith.constant 80 : i32
    %swap3A_6 = arith.index_cast %swap3A : i32 to index
    %swap3A_7 = arith.constant 0 : index
    %swap3A_8 = tpu.vector_load %arg7[%swap3A_6, %swap3A_7] {strides = array<i32>} : memref<81x128xi32, #tpu.memory_space<vmem>>, vector<1x16xi32>,
    %swap3A_9 = vector.shape_cast %swap3A_8 : vector<1x16xi32> to vector<16xi32>
    %swap3A_10 = vector.shape_cast %broadcast_in_dim3A_5 : vector<16xi32> to vector<1x16xi32>
    tpu.vector_store %arg7[%swap3A_6, %swap3A_7], %swap3A_10 {strides = array<i32>} : memref<81x128xi32, #tpu.memory_space<vmem>>, vector<1x16xi32>,
    %broadcast_in_dim3A_11 = arith.constant 0 : i32
    %broadcast_in_dim3A_12 = vector.broadcast %broadcast_in_dim3A_11 : i32 to vector<16xi32>
    %swap3A_13 = arith.constant 80 : i32
    %swap3A_14 = arith.index_cast %swap3A_13 : i32 to index
    %swap3A_15 = arith.constant 16 : index
    %swap3A_16 = tpu.vector_load %arg7[%swap3A_14, %swap3A_15] {strides = array<i32>} : memref<81x128xi32, #tpu.memory_space<vmem>>, vector<1x16xi32>,
    %swap3A_17 = vector.shape_cast %swap3A_16 : vector<1x16xi32> to vector<16xi32>
    %swap3A_18 = vector.shape_cast %broadcast_in_dim3A_12 : vector<16xi32> to vector<1x16xi32>
    tpu.vector_store %arg7[%swap3A_14, %swap3A_15], %swap3A_18 {strides = array<i32>} : memref<81x128xi32, #tpu.memory_space<vmem>>, vector<1x16xi32>,
    %broadcast_in_dim3A_19 = arith.constant 0 : i32
    %broadcast_in_dim3A_20 = vector.broadcast %broadcast_in_dim3A_19 : i32 to vector<16xi32>
    %swap3A_21 = arith.constant 80 : i32
    %swap3A_22 = arith.index_cast %swap3A_21 : i32 to index
    %swap3A_23 = arith.constant 32 : index
    %swap3A_24 = tpu.vector_load %arg7[%swap3A_22, %swap3A_23] {strides = array<i32>} : memref<81x128xi32, #tpu.memory_space<vmem>>, vector<1x16xi32>,
    %swap3A_25 = vector.shape_cast %swap3A_24 : vector<1x16xi32> to vector<16xi32>
    %swap3A_26 = vector.shape_cast %broadcast_in_dim3A_20 : vector<16xi32> to vector<1x16xi32>
    tpu.vector_store %arg7[%swap3A_22, %swap3A_23], %swap3A_26 {strides = array<i32>} : memref<81x128xi32, #tpu.memory_space<vmem>>, vector<1x16xi32>,
    %broadcast_in_dim3A_27 = arith.constant 0 : i32
    %broadcast_in_dim3A_28 = vector.broadcast %broadcast_in_dim3A_27 : i32 to vector<16xi32>
    %swap3A_29 = arith.constant 80 : i32
    %swap3A_30 = arith.index_cast %swap3A_29 : i32 to index
    %swap3A_31 = arith.constant 48 : index
    %swap3A_32 = tpu.vector_load %arg7[%swap3A_30, %swap3A_31] {strides = array<i32>} : memref<81x128xi32, #tpu.memory_space<vmem>>, vector<1x16xi32>,
    %swap3A_33 = vector.shape_cast %swap3A_32 : vector<1x16xi32> to vector<16xi32>
    %swap3A_34 = vector.shape_cast %broadcast_in_dim3A_28 : vector<16xi32> to vector<1x16xi32>
    tpu.vector_store %arg7[%swap3A_30, %swap3A_31], %swap3A_34 {strides = array<i32>} : memref<81x128xi32, #tpu.memory_space<vmem>>, vector<1x16xi32>,
    %broadcast_in_dim3A_35 = arith.constant 0 : i32
    %broadcast_in_dim3A_36 = vector.broadcast %broadcast_in_dim3A_35 : i32 to vector<16xi32>
    %swap3A_37 = arith.constant 80 : i32
    %swap3A_38 = arith.index_cast %swap3A_37 : i32 to index
    %swap3A_39 = arith.constant 64 : index
    %swap3A_40 = tpu.vector_load %arg7[%swap3A_38, %swap3A_39] {strides = array<i32>} : memref<81x128xi32, #tpu.memory_space<vmem>>, vector<1x16xi32>,
    %swap3A_41 = vector.shape_cast %swap3A_40 : vector<1x16xi32> to vector<16xi32>
    %swap3A_42 = vector.shape_cast %broadcast_in_dim3A_36 : vector<16xi32> to vector<1x16xi32>
    tpu.vector_store %arg7[%swap3A_38, %swap3A_39], %swap3A_42 {strides = array<i32>} : memref<81x128xi32, #tpu.memory_space<vmem>>, vector<1x16xi32>,
    %broadcast_in_dim3A_43 = arith.constant 0 : i32
    %broadcast_in_dim3A_44 = vector.broadcast %broadcast_in_dim3A_43 : i32 to vector<16xi32>
    %swap3A_45 = arith.constant 80 : i32
    %swap3A_46 = arith.index_cast %swap3A_45 : i32 to index
    %swap3A_47 = arith.constant 80 : index
    %swap3A_48 = tpu.vector_load %arg7[%swap3A_46, %swap3A_47] {strides = array<i32>} : memref<81x128xi32, #tpu.memory_space<vmem>>, vector<1x16xi32>,
    %swap3A_49 = vector.shape_cast %swap3A_48 : vector<1x16xi32> to vector<16xi32>
    %swap3A_50 = vector.shape_cast %broadcast_in_dim3A_44 : vector<16xi32> to vector<1x16xi32>
    tpu.vector_store %arg7[%swap3A_46, %swap3A_47], %swap3A_50 {strides = array<i32>} : memref<81x128xi32, #tpu.memory_space<vmem>>, vector<1x16xi32>,
    %broadcast_in_dim3A_51 = arith.constant 0 : i32
    %broadcast_in_dim3A_52 = vector.broadcast %broadcast_in_dim3A_51 : i32 to vector<16xi32>
    %swap3A_53 = arith.constant 80 : i32
    %swap3A_54 = arith.index_cast %swap3A_53 : i32 to index
    %swap3A_55 = arith.constant 96 : index
    %swap3A_56 = tpu.vector_load %arg7[%swap3A_54, %swap3A_55] {strides = array<i32>} : memref<81x128xi32, #tpu.memory_space<vmem>>, vector<1x16xi32>,
    %swap3A_57 = vector.shape_cast %swap3A_56 : vector<1x16xi32> to vector<16xi32>
    %swap3A_58 = vector.shape_cast %broadcast_in_dim3A_52 : vector<16xi32> to vector<1x16xi32>
    tpu.vector_store %arg7[%swap3A_54, %swap3A_55], %swap3A_58 {strides = array<i32>} : memref<81x128xi32, #tpu.memory_space<vmem>>, vector<1x16xi32>,
    %broadcast_in_dim3A_59 = arith.constant 0 : i32
    %broadcast_in_dim3A_60 = vector.broadcast %broadcast_in_dim3A_59 : i32 to vector<16xi32>
    %swap3A_61 = arith.constant 80 : i32
    %swap3A_62 = arith.index_cast %swap3A_61 : i32 to index
    %swap3A_63 = arith.constant 112 : index
    %swap3A_64 = tpu.vector_load %arg7[%swap3A_62, %swap3A_63] {strides = array<i32>} : memref<81x128xi32, #tpu.memory_space<vmem>>, vector<1x16xi32>,
    %swap3A_65 = vector.shape_cast %swap3A_64 : vector<1x16xi32> to vector<16xi32>
    %swap3A_66 = vector.shape_cast %broadcast_in_dim3A_60 : vector<16xi32> to vector<1x16xi32>
    tpu.vector_store %arg7[%swap3A_62, %swap3A_63], %swap3A_66 {strides = array<i32>} : memref<81x128xi32, #tpu.memory_space<vmem>>, vector<1x16xi32>,
    %mul3A_67 = arith.constant 625 : i32
    %mul3A_68 = arith.muli %arg1, %mul3A_67 : i32
    %mul3A_69 = arith.constant 625 : i32
    %mul3A_70 = arith.muli %arg1, %mul3A_69 : i32
    "tpu.region"() ({
      %run_scoped3A = tpu.sem_alloc : memref<!tpu.dma_semaphore, #tpu.memory_space<semaphore_mem>>
      %dma_start3A_96 = arith.constant 0 : i32
      %dma_start3A_97 = tpu.memref_slice %arg11[%mul3A_70, %dma_start3A_96] : memref<10000x64xf32, #tpu.memory_space<vmem_shared>> -> memref<625x64xf32, #tpu.memory_space<vmem_shared>>
      %dma_start3A_98 = arith.constant 0 : i32
      %dma_start3A_99 = tpu.memref_slice %arg2[%mul3A_68, %dma_start3A_98] : memref<10000x64xf32, #tpu.memory_space<hbm>> -> memref<625x64xf32, #tpu.memory_space<hbm>>
      tpu.enqueue_dma source(%dma_start3A_99 : memref<625x64xf32, #tpu.memory_space<hbm>>) target(%dma_start3A_97 : memref<625x64xf32, #tpu.memory_space<vmem_shared>>) target_semaphore(%run_scoped3A : memref<!tpu.dma_semaphore, #tpu.memory_space<semaphore_mem>>)
      %dma_wait3A_100 = arith.constant 0 : i32
      %dma_wait3A_101 = tpu.memref_slice %arg11[%mul3A_70, %dma_wait3A_100] : memref<10000x64xf32, #tpu.memory_space<vmem_shared>> -> memref<625x64xf32, #tpu.memory_space<vmem_shared>>
      %dma_wait3A_102 = arith.constant 0 : i32
      %dma_wait3A_103 = tpu.memref_slice %arg2[%mul3A_68, %dma_wait3A_102] : memref<10000x64xf32, #tpu.memory_space<hbm>> -> memref<625x64xf32, #tpu.memory_space<hbm>>
      tpu.wait_dma2 semaphore(%run_scoped3A : memref<!tpu.dma_semaphore, #tpu.memory_space<semaphore_mem>>) src(%dma_wait3A_103 : memref<625x64xf32, #tpu.memory_space<hbm>>) dst(%dma_wait3A_101 : memref<625x64xf32, #tpu.memory_space<vmem_shared>>)
      tpu.yield
    }) : () -> ()
    %mul3A_71 = arith.constant 632 : i32
    %mul3A_72 = arith.muli %arg1, %mul3A_71 : i32
    %mul3A_73 = arith.constant 632 : i32
    %mul3A_74 = arith.muli %arg1, %mul3A_73 : i32
    "tpu.region"() ({
      %run_scoped3A = tpu.sem_alloc : memref<!tpu.dma_semaphore, #tpu.memory_space<semaphore_mem>>
      %dma_start3A_96 = arith.constant 0 : i32
      %dma_start3A_97 = tpu.memref_slice %arg12[%mul3A_74, %dma_start3A_96] : memref<10112x64xf32, #tpu.memory_space<vmem_shared>> -> memref<632x64xf32, #tpu.memory_space<vmem_shared>>
      %dma_start3A_98 = arith.constant 0 : i32
      %dma_start3A_99 = tpu.memref_slice %arg5[%mul3A_72, %dma_start3A_98] : memref<10112x64xf32, #tpu.memory_space<hbm>> -> memref<632x64xf32, #tpu.memory_space<hbm>>
      tpu.enqueue_dma source(%dma_start3A_99 : memref<632x64xf32, #tpu.memory_space<hbm>>) target(%dma_start3A_97 : memref<632x64xf32, #tpu.memory_space<vmem_shared>>) target_semaphore(%run_scoped3A : memref<!tpu.dma_semaphore, #tpu.memory_space<semaphore_mem>>)
      %dma_wait3A_100 = arith.constant 0 : i32
      %dma_wait3A_101 = tpu.memref_slice %arg12[%mul3A_74, %dma_wait3A_100] : memref<10112x64xf32, #tpu.memory_space<vmem_shared>> -> memref<632x64xf32, #tpu.memory_space<vmem_shared>>
      %dma_wait3A_102 = arith.constant 0 : i32
      %dma_wait3A_103 = tpu.memref_slice %arg5[%mul3A_72, %dma_wait3A_102] : memref<10112x64xf32, #tpu.memory_space<hbm>> -> memref<632x64xf32, #tpu.memory_space<hbm>>
      tpu.wait_dma2 semaphore(%run_scoped3A : memref<!tpu.dma_semaphore, #tpu.memory_space<semaphore_mem>>) src(%dma_wait3A_103 : memref<632x64xf32, #tpu.memory_space<hbm>>) dst(%dma_wait3A_101 : memref<632x64xf32, #tpu.memory_space<vmem_shared>>)
      tpu.yield
    }) : () -> ()
    %barrier3A = arith.constant 0 : index
    tpu.barrier barrier_id(%barrier3A)
    %dma_start3A = arith.constant 0 : i32
    %dma_start3A_75 = arith.constant 0 : i32
    %dma_start3A_76 = tpu.memref_slice %arg7[%dma_start3A, %dma_start3A_75] : memref<81x128xi32, #tpu.memory_space<vmem>> -> memref<1x128xi32, #tpu.memory_space<vmem>>
    %dma_start3A_77 = tpu.memref_squeeze %dma_start3A_76 : memref<1x128xi32, #tpu.memory_space<vmem>> -> memref<128xi32, #tpu.memory_space<vmem>>
    %dma_start3A_78 = arith.constant 0 : i32
    %dma_start3A_79 = arith.constant 0 : i32
    %dma_start3A_80 = tpu.memref_slice %arg11[%dma_start3A_78, %dma_start3A_79] : memref<10000x64xf32, #tpu.memory_space<vmem_shared>> -> memref<10000x64xf32, #tpu.memory_space<vmem_shared>>
    tpu.enqueue_indirect_dma source(%dma_start3A_80 : memref<10000x64xf32, #tpu.memory_space<vmem_shared>>) target(%arg9 : memref<128x64xf32, #tpu.memory_space<vmem>>) offsets(%dma_start3A_77 : memref<128xi32, #tpu.memory_space<vmem>>) semaphore(%arg13 : memref<!tpu.dma_semaphore, #tpu.memory_space<semaphore_mem>>)
    %scan3A = arith.constant 0 : i32
    %scan3A_81 = arith.constant 40 : i32
    %scan3A_82 = arith.addi %scan3A, %scan3A_81 : i32
    %scan3A_83 = arith.constant 1 : i32
    scf.for %scan3A_96 = %scan3A to %scan3A_82 step %scan3A_83  : i32 {
      %mul3A_97 = arith.constant 2 : i32
      %mul3A_98 = arith.muli %scan3A_96, %mul3A_97 : i32
      %add3A_99 = arith.constant 0 : i32
      %add3A_100 = arith.addi %add3A_99, %mul3A_98 : i32
      %add3A_101 = arith.constant 1 : i32
      %add3A_102 = arith.addi %add3A_100, %add3A_101 : i32
      %dma_start3A_103 = arith.constant 0 : i32
      %dma_start3A_104 = tpu.memref_slice %arg7[%add3A_102, %dma_start3A_103] : memref<81x128xi32, #tpu.memory_space<vmem>> -> memref<1x128xi32, #tpu.memory_space<vmem>>
      %dma_start3A_105 = tpu.memref_squeeze %dma_start3A_104 : memref<1x128xi32, #tpu.memory_space<vmem>> -> memref<128xi32, #tpu.memory_space<vmem>>
      %dma_start3A_106 = arith.constant 0 : i32
      %dma_start3A_107 = arith.constant 0 : i32
      %dma_start3A_108 = tpu.memref_slice %arg11[%dma_start3A_106, %dma_start3A_107] : memref<10000x64xf32, #tpu.memory_space<vmem_shared>> -> memref<10000x64xf32, #tpu.memory_space<vmem_shared>>
      tpu.enqueue_indirect_dma source(%dma_start3A_108 : memref<10000x64xf32, #tpu.memory_space<vmem_shared>>) target(%arg10 : memref<128x64xf32, #tpu.memory_space<vmem>>) offsets(%dma_start3A_105 : memref<128xi32, #tpu.memory_space<vmem>>) semaphore(%arg14 : memref<!tpu.dma_semaphore, #tpu.memory_space<semaphore_mem>>)
      %dma_wait3A_109 = arith.constant 0 : i32
      %dma_wait3A_110 = tpu.memref_slice %arg7[%add3A_100, %dma_wait3A_109] : memref<81x128xi32, #tpu.memory_space<vmem>> -> memref<1x128xi32, #tpu.memory_space<vmem>>
      %dma_wait3A_111 = tpu.memref_squeeze %dma_wait3A_110 : memref<1x128xi32, #tpu.memory_space<vmem>> -> memref<128xi32, #tpu.memory_space<vmem>>
      %dma_wait3A_112 = arith.constant 0 : i32
      %dma_wait3A_113 = arith.constant 0 : i32
      %dma_wait3A_114 = tpu.memref_slice %arg11[%dma_wait3A_112, %dma_wait3A_113] : memref<10000x64xf32, #tpu.memory_space<vmem_shared>> -> memref<10000x64xf32, #tpu.memory_space<vmem_shared>>
      tpu.wait_indirect_dma semaphore(%arg13 : memref<!tpu.dma_semaphore, #tpu.memory_space<semaphore_mem>>) src(%dma_wait3A_114 : memref<10000x64xf32, #tpu.memory_space<vmem_shared>>) dst(%arg9 : memref<128x64xf32, #tpu.memory_space<vmem>>)
      "tpu.region"() ({
        %run_scoped3A = tpu.sem_alloc : memref<!tpu.dma_semaphore, #tpu.memory_space<semaphore_mem>>
        %dma_start3A_133 = arith.constant 0 : i32
        %dma_start3A_134 = tpu.memref_slice %arg8[%add3A_100, %dma_start3A_133] : memref<80x128xi32, #tpu.memory_space<vmem>> -> memref<1x128xi32, #tpu.memory_space<vmem>>
        %dma_start3A_135 = tpu.memref_squeeze %dma_start3A_134 : memref<1x128xi32, #tpu.memory_space<vmem>> -> memref<128xi32, #tpu.memory_space<vmem>>
        %dma_start3A_136 = arith.constant 0 : i32
        %dma_start3A_137 = arith.constant 0 : i32
        %dma_start3A_138 = tpu.memref_slice %arg12[%dma_start3A_136, %dma_start3A_137] : memref<10112x64xf32, #tpu.memory_space<vmem_shared>> -> memref<10112x64xf32, #tpu.memory_space<vmem_shared>>
        tpu.enqueue_indirect_dma source(%arg9 : memref<128x64xf32, #tpu.memory_space<vmem>>) target(%dma_start3A_138 : memref<10112x64xf32, #tpu.memory_space<vmem_shared>>) offsets(%dma_start3A_135 : memref<128xi32, #tpu.memory_space<vmem>>) semaphore(%run_scoped3A : memref<!tpu.dma_semaphore, #tpu.memory_space<semaphore_mem>>) {add = true}
        %dma_wait3A_139 = arith.constant 0 : i32
        %dma_wait3A_140 = tpu.memref_slice %arg8[%add3A_100, %dma_wait3A_139] : memref<80x128xi32, #tpu.memory_space<vmem>> -> memref<1x128xi32, #tpu.memory_space<vmem>>
        %dma_wait3A_141 = tpu.memref_squeeze %dma_wait3A_140 : memref<1x128xi32, #tpu.memory_space<vmem>> -> memref<128xi32, #tpu.memory_space<vmem>>
        %dma_wait3A_142 = arith.constant 0 : i32
        %dma_wait3A_143 = arith.constant 0 : i32
        %dma_wait3A_144 = tpu.memref_slice %arg12[%dma_wait3A_142, %dma_wait3A_143] : memref<10112x64xf32, #tpu.memory_space<vmem_shared>> -> memref<10112x64xf32, #tpu.memory_space<vmem_shared>>
        tpu.wait_indirect_dma semaphore(%run_scoped3A : memref<!tpu.dma_semaphore, #tpu.memory_space<semaphore_mem>>) src(%arg9 : memref<128x64xf32, #tpu.memory_space<vmem>>) dst(%dma_wait3A_144 : memref<10112x64xf32, #tpu.memory_space<vmem_shared>>)
        tpu.yield
      }) : () -> ()
      %add3A_115 = arith.constant 2 : i32
      %add3A_116 = arith.addi %add3A_100, %add3A_115 : i32
      %dma_start3A_117 = arith.constant 0 : i32
      %dma_start3A_118 = tpu.memref_slice %arg7[%add3A_116, %dma_start3A_117] : memref<81x128xi32, #tpu.memory_space<vmem>> -> memref<1x128xi32, #tpu.memory_space<vmem>>
      %dma_start3A_119 = tpu.memref_squeeze %dma_start3A_118 : memref<1x128xi32, #tpu.memory_space<vmem>> -> memref<128xi32, #tpu.memory_space<vmem>>
      %dma_start3A_120 = arith.constant 0 : i32
      %dma_start3A_121 = arith.constant 0 : i32
      %dma_start3A_122 = tpu.memref_slice %arg11[%dma_start3A_120, %dma_start3A_121] : memref<10000x64xf32, #tpu.memory_space<vmem_shared>> -> memref<10000x64xf32, #tpu.memory_space<vmem_shared>>
      tpu.enqueue_indirect_dma source(%dma_start3A_122 : memref<10000x64xf32, #tpu.memory_space<vmem_shared>>) target(%arg9 : memref<128x64xf32, #tpu.memory_space<vmem>>) offsets(%dma_start3A_119 : memref<128xi32, #tpu.memory_space<vmem>>) semaphore(%arg13 : memref<!tpu.dma_semaphore, #tpu.memory_space<semaphore_mem>>)
      %add3A_123 = arith.constant 1 : i32
      %add3A_124 = arith.addi %add3A_100, %add3A_123 : i32
      %dma_wait3A_125 = arith.constant 0 : i32
      %dma_wait3A_126 = tpu.memref_slice %arg7[%add3A_124, %dma_wait3A_125] : memref<81x128xi32, #tpu.memory_space<vmem>> -> memref<1x128xi32, #tpu.memory_space<vmem>>
      %dma_wait3A_127 = tpu.memref_squeeze %dma_wait3A_126 : memref<1x128xi32, #tpu.memory_space<vmem>> -> memref<128xi32, #tpu.memory_space<vmem>>
      %dma_wait3A_128 = arith.constant 0 : i32
      %dma_wait3A_129 = arith.constant 0 : i32
      %dma_wait3A_130 = tpu.memref_slice %arg11[%dma_wait3A_128, %dma_wait3A_129] : memref<10000x64xf32, #tpu.memory_space<vmem_shared>> -> memref<10000x64xf32, #tpu.memory_space<vmem_shared>>
      tpu.wait_indirect_dma semaphore(%arg14 : memref<!tpu.dma_semaphore, #tpu.memory_space<semaphore_mem>>) src(%dma_wait3A_130 : memref<10000x64xf32, #tpu.memory_space<vmem_shared>>) dst(%arg10 : memref<128x64xf32, #tpu.memory_space<vmem>>)
      %add3A_131 = arith.constant 1 : i32
      %add3A_132 = arith.addi %add3A_100, %add3A_131 : i32
      "tpu.region"() ({
        %run_scoped3A = tpu.sem_alloc : memref<!tpu.dma_semaphore, #tpu.memory_space<semaphore_mem>>
        %dma_start3A_133 = arith.constant 0 : i32
        %dma_start3A_134 = tpu.memref_slice %arg8[%add3A_132, %dma_start3A_133] : memref<80x128xi32, #tpu.memory_space<vmem>> -> memref<1x128xi32, #tpu.memory_space<vmem>>
        %dma_start3A_135 = tpu.memref_squeeze %dma_start3A_134 : memref<1x128xi32, #tpu.memory_space<vmem>> -> memref<128xi32, #tpu.memory_space<vmem>>
        %dma_start3A_136 = arith.constant 0 : i32
        %dma_start3A_137 = arith.constant 0 : i32
        %dma_start3A_138 = tpu.memref_slice %arg12[%dma_start3A_136, %dma_start3A_137] : memref<10112x64xf32, #tpu.memory_space<vmem_shared>> -> memref<10112x64xf32, #tpu.memory_space<vmem_shared>>
        tpu.enqueue_indirect_dma source(%arg10 : memref<128x64xf32, #tpu.memory_space<vmem>>) target(%dma_start3A_138 : memref<10112x64xf32, #tpu.memory_space<vmem_shared>>) offsets(%dma_start3A_135 : memref<128xi32, #tpu.memory_space<vmem>>) semaphore(%run_scoped3A : memref<!tpu.dma_semaphore, #tpu.memory_space<semaphore_mem>>) {add = true}
        %dma_wait3A_139 = arith.constant 0 : i32
        %dma_wait3A_140 = tpu.memref_slice %arg8[%add3A_132, %dma_wait3A_139] : memref<80x128xi32, #tpu.memory_space<vmem>> -> memref<1x128xi32, #tpu.memory_space<vmem>>
        %dma_wait3A_141 = tpu.memref_squeeze %dma_wait3A_140 : memref<1x128xi32, #tpu.memory_space<vmem>> -> memref<128xi32, #tpu.memory_space<vmem>>
        %dma_wait3A_142 = arith.constant 0 : i32
        %dma_wait3A_143 = arith.constant 0 : i32
        %dma_wait3A_144 = tpu.memref_slice %arg12[%dma_wait3A_142, %dma_wait3A_143] : memref<10112x64xf32, #tpu.memory_space<vmem_shared>> -> memref<10112x64xf32, #tpu.memory_space<vmem_shared>>
        tpu.wait_indirect_dma semaphore(%run_scoped3A : memref<!tpu.dma_semaphore, #tpu.memory_space<semaphore_mem>>) src(%arg10 : memref<128x64xf32, #tpu.memory_space<vmem>>) dst(%dma_wait3A_144 : memref<10112x64xf32, #tpu.memory_space<vmem_shared>>)
        tpu.yield
      }) : () -> ()
    }
    %scan3A_84 = arith.constant 40 : i32
    %dma_wait3A = arith.constant 80 : i32
    %dma_wait3A_85 = arith.constant 0 : i32
    %dma_wait3A_86 = tpu.memref_slice %arg7[%dma_wait3A, %dma_wait3A_85] : memref<81x128xi32, #tpu.memory_space<vmem>> -> memref<1x128xi32, #tpu.memory_space<vmem>>
    %dma_wait3A_87 = tpu.memref_squeeze %dma_wait3A_86 : memref<1x128xi32, #tpu.memory_space<vmem>> -> memref<128xi32, #tpu.memory_space<vmem>>
    %dma_wait3A_88 = arith.constant 0 : i32
    %dma_wait3A_89 = arith.constant 0 : i32
    %dma_wait3A_90 = tpu.memref_slice %arg11[%dma_wait3A_88, %dma_wait3A_89] : memref<10000x64xf32, #tpu.memory_space<vmem_shared>> -> memref<10000x64xf32, #tpu.memory_space<vmem_shared>>
    tpu.wait_indirect_dma semaphore(%arg13 : memref<!tpu.dma_semaphore, #tpu.memory_space<semaphore_mem>>) src(%dma_wait3A_90 : memref<10000x64xf32, #tpu.memory_space<vmem_shared>>) dst(%arg9 : memref<128x64xf32, #tpu.memory_space<vmem>>)
    %barrier3A_91 = arith.constant 0 : index
    tpu.barrier barrier_id(%barrier3A_91)
    %mul3A_92 = arith.constant 632 : i32
    %mul3A_93 = arith.muli %arg1, %mul3A_92 : i32
    %mul3A_94 = arith.constant 632 : i32
    %mul3A_95 = arith.muli %arg1, %mul3A_94 : i32
    "tpu.region"() ({
      %run_scoped3A = tpu.sem_alloc : memref<!tpu.dma_semaphore, #tpu.memory_space<semaphore_mem>>
      %dma_start3A_96 = arith.constant 0 : i32
      %dma_start3A_97 = tpu.memref_slice %arg6[%arg0, %mul3A_95, %dma_start3A_96] : memref<2x10112x64xf32, #tpu.memory_space<hbm>> -> memref<1x632x64xf32, #tpu.memory_space<hbm>>
      %dma_start3A_98 = tpu.memref_squeeze %dma_start3A_97 : memref<1x632x64xf32, #tpu.memory_space<hbm>> -> memref<632x64xf32, #tpu.memory_space<hbm>>
      %dma_start3A_99 = arith.constant 0 : i32
      %dma_start3A_100 = tpu.memref_slice %arg12[%mul3A_93, %dma_start3A_99] : memref<10112x64xf32, #tpu.memory_space<vmem_shared>> -> memref<632x64xf32, #tpu.memory_space<vmem_shared>>
      tpu.enqueue_dma source(%dma_start3A_100 : memref<632x64xf32, #tpu.memory_space<vmem_shared>>) target(%dma_start3A_98 : memref<632x64xf32, #tpu.memory_space<hbm>>) target_semaphore(%run_scoped3A : memref<!tpu.dma_semaphore, #tpu.memory_space<semaphore_mem>>)
      %dma_wait3A_101 = arith.constant 0 : i32
      %dma_wait3A_102 = tpu.memref_slice %arg6[%arg0, %mul3A_95, %dma_wait3A_101] : memref<2x10112x64xf32, #tpu.memory_space<hbm>> -> memref<1x632x64xf32, #tpu.memory_space<hbm>>
      %dma_wait3A_103 = tpu.memref_squeeze %dma_wait3A_102 : memref<1x632x64xf32, #tpu.memory_space<hbm>> -> memref<632x64xf32, #tpu.memory_space<hbm>>
      %dma_wait3A_104 = arith.constant 0 : i32
      %dma_wait3A_105 = tpu.memref_slice %arg12[%mul3A_93, %dma_wait3A_104] : memref<10112x64xf32, #tpu.memory_space<vmem_shared>> -> memref<632x64xf32, #tpu.memory_space<vmem_shared>>
      tpu.wait_dma2 semaphore(%run_scoped3A : memref<!tpu.dma_semaphore, #tpu.memory_space<semaphore_mem>>) src(%dma_wait3A_105 : memref<632x64xf32, #tpu.memory_space<vmem_shared>>) dst(%dma_wait3A_103 : memref<632x64xf32, #tpu.memory_space<hbm>>)
      tpu.yield
    }) : () -> ()
    return
  }
}

#map = affine_map<(d0, d1) -> (0, 0)>
#map1 = affine_map<(d0, d1) -> (0, 0, 0)>
module attributes {stable_mosaic.version = 14 : i64} {
  func.func @_propagate(%arg0: i32, %arg1: i32, %arg2: memref<10000x8xf32, #tpu.memory_space<hbm>>, %arg3: memref<2560x128xi32, #tpu.memory_space<hbm>>, %arg4: memref<2560x128xi32, #tpu.memory_space<hbm>>, %arg5: memref<10112x8xf32, #tpu.memory_space<hbm>>, %arg6: memref<2x10112x8xf32, #tpu.memory_space<hbm>>, %arg7: memref<81x128xi32, #tpu.memory_space<vmem>>, %arg8: memref<80x128xi32, #tpu.memory_space<vmem>>, %arg9: memref<128x8xf32, #tpu.memory_space<vmem>>, %arg10: memref<128x8xf32, #tpu.memory_space<vmem>>, %arg11: memref<10000x8xf32, #tpu.memory_space<vmem_shared>>, %arg12: memref<10112x8xf32, #tpu.memory_space<vmem_shared>>, %arg13: memref<!tpu.dma_semaphore, #tpu.memory_space<semaphore_mem>>, %arg14: memref<!tpu.dma_semaphore, #tpu.memory_space<semaphore_mem>>) attributes {dimension_semantics = [#tpu.dimension_semantics<core_parallel>, #tpu.dimension_semantics<subcore_parallel>], iteration_bounds = array<i64: 2, 16>, scalar_prefetch = 0 : i64, scratch_operands = 8 : i64, tpu.core_type = #tpu.core_type<sc_vector_subcore>, window_params = [{transform_indices = #map}, {transform_indices = #map}, {transform_indices = #map}, {transform_indices = #map}, {transform_indices = #map1}]} {
    %mul3A = arith.constant 2 : i32
    %mul3A_0 = arith.muli %arg1, %mul3A : i32
    %add3A = arith.addi %mul3A_0, %arg0 : i32
    %mul3A_1 = arith.constant 80 : i32
    %mul3A_2 = arith.muli %add3A, %mul3A_1 : i32
    "tpu.region"() ({
      %run_scoped3A = tpu.sem_alloc : memref<!tpu.dma_semaphore, #tpu.memory_space<semaphore_mem>>
      %dma_start3A_96 = arith.constant 0 : i32
      %dma_start3A_97 = arith.constant 0 : i32
      %dma_start3A_98 = tpu.memref_slice %arg7[%dma_start3A_96, %dma_start3A_97] : memref<81x128xi32, #tpu.memory_space<vmem>> -> memref<80x128xi32, #tpu.memory_space<vmem>>
      %dma_start3A_99 = arith.constant 0 : i32
      %dma_start3A_100 = tpu.memref_slice %arg3[%mul3A_2, %dma_start3A_99] : memref<2560x128xi32, #tpu.memory_space<hbm>> -> memref<80x128xi32, #tpu.memory_space<hbm>>
      %dma_start3A_101 = arith.constant 0 : i32
      %dma_start3A_102 = arith.constant 0 : i32
      %dma_start3A_103 = tpu.memref_slice %arg7[%dma_start3A_101, %dma_start3A_102] : memref<81x128xi32, #tpu.memory_space<vmem>> -> memref<80x128xi32, #tpu.memory_space<vmem>>
      %dma_start3A_104 = arith.constant 0 : i32
      %dma_start3A_105 = tpu.memref_slice %arg3[%mul3A_2, %dma_start3A_104] : memref<2560x128xi32, #tpu.memory_space<hbm>> -> memref<80x128xi32, #tpu.memory_space<hbm>>
      tpu.enqueue_dma source(%dma_start3A_105 : memref<80x128xi32, #tpu.memory_space<hbm>>) target(%dma_start3A_103 : memref<80x128xi32, #tpu.memory_space<vmem>>) target_semaphore(%run_scoped3A : memref<!tpu.dma_semaphore, #tpu.memory_space<semaphore_mem>>)
      %dma_wait3A_106 = arith.constant 0 : i32
      %dma_wait3A_107 = arith.constant 0 : i32
      %dma_wait3A_108 = tpu.memref_slice %arg7[%dma_wait3A_106, %dma_wait3A_107] : memref<81x128xi32, #tpu.memory_space<vmem>> -> memref<80x128xi32, #tpu.memory_space<vmem>>
      %dma_wait3A_109 = arith.constant 0 : i32
      %dma_wait3A_110 = tpu.memref_slice %arg3[%mul3A_2, %dma_wait3A_109] : memref<2560x128xi32, #tpu.memory_space<hbm>> -> memref<80x128xi32, #tpu.memory_space<hbm>>
      %dma_wait3A_111 = arith.constant 0 : i32
      %dma_wait3A_112 = arith.constant 0 : i32
      %dma_wait3A_113 = tpu.memref_slice %arg7[%dma_wait3A_111, %dma_wait3A_112] : memref<81x128xi32, #tpu.memory_space<vmem>> -> memref<80x128xi32, #tpu.memory_space<vmem>>
      %dma_wait3A_114 = arith.constant 0 : i32
      %dma_wait3A_115 = tpu.memref_slice %arg3[%mul3A_2, %dma_wait3A_114] : memref<2560x128xi32, #tpu.memory_space<hbm>> -> memref<80x128xi32, #tpu.memory_space<hbm>>
      tpu.wait_dma2 semaphore(%run_scoped3A : memref<!tpu.dma_semaphore, #tpu.memory_space<semaphore_mem>>) src(%dma_wait3A_115 : memref<80x128xi32, #tpu.memory_space<hbm>>) dst(%dma_wait3A_113 : memref<80x128xi32, #tpu.memory_space<vmem>>)
      tpu.yield
    }) : () -> ()
    %mul3A_3 = arith.constant 80 : i32
    %mul3A_4 = arith.muli %add3A, %mul3A_3 : i32
    "tpu.region"() ({
      %run_scoped3A = tpu.sem_alloc : memref<!tpu.dma_semaphore, #tpu.memory_space<semaphore_mem>>
      %dma_start3A_96 = arith.constant 0 : i32
      %dma_start3A_97 = tpu.memref_slice %arg4[%mul3A_4, %dma_start3A_96] : memref<2560x128xi32, #tpu.memory_space<hbm>> -> memref<80x128xi32, #tpu.memory_space<hbm>>
      %dma_start3A_98 = arith.constant 0 : i32
      %dma_start3A_99 = tpu.memref_slice %arg4[%mul3A_4, %dma_start3A_98] : memref<2560x128xi32, #tpu.memory_space<hbm>> -> memref<80x128xi32, #tpu.memory_space<hbm>>
      tpu.enqueue_dma source(%dma_start3A_99 : memref<80x128xi32, #tpu.memory_space<hbm>>) target(%arg8 : memref<80x128xi32, #tpu.memory_space<vmem>>) target_semaphore(%run_scoped3A : memref<!tpu.dma_semaphore, #tpu.memory_space<semaphore_mem>>)
      %dma_wait3A_100 = arith.constant 0 : i32
      %dma_wait3A_101 = tpu.memref_slice %arg4[%mul3A_4, %dma_wait3A_100] : memref<2560x128xi32, #tpu.memory_space<hbm>> -> memref<80x128xi32, #tpu.memory_space<hbm>>
      %dma_wait3A_102 = arith.constant 0 : i32
      %dma_wait3A_103 = tpu.memref_slice %arg4[%mul3A_4, %dma_wait3A_102] : memref<2560x128xi32, #tpu.memory_space<hbm>> -> memref<80x128xi32, #tpu.memory_space<hbm>>
      tpu.wait_dma2 semaphore(%run_scoped3A : memref<!tpu.dma_semaphore, #tpu.memory_space<semaphore_mem>>) src(%dma_wait3A_103 : memref<80x128xi32, #tpu.memory_space<hbm>>) dst(%arg8 : memref<80x128xi32, #tpu.memory_space<vmem>>)
      tpu.yield
    }) : () -> ()
    %broadcast_in_dim3A = arith.constant 0 : i32
    %broadcast_in_dim3A_5 = vector.broadcast %broadcast_in_dim3A : i32 to vector<16xi32>
    %swap3A = arith.constant 80 : i32
    %swap3A_6 = arith.index_cast %swap3A : i32 to index
    %swap3A_7 = arith.constant 0 : index
    %swap3A_8 = tpu.vector_load %arg7[%swap3A_6, %swap3A_7] {strides = array<i32>} : memref<81x128xi32, #tpu.memory_space<vmem>>, vector<1x16xi32>,
    %swap3A_9 = vector.shape_cast %swap3A_8 : vector<1x16xi32> to vector<16xi32>
    %swap3A_10 = vector.shape_cast %broadcast_in_dim3A_5 : vector<16xi32> to vector<1x16xi32>
    tpu.vector_store %arg7[%swap3A_6, %swap3A_7], %swap3A_10 {strides = array<i32>} : memref<81x128xi32, #tpu.memory_space<vmem>>, vector<1x16xi32>,
    %broadcast_in_dim3A_11 = arith.constant 0 : i32
    %broadcast_in_dim3A_12 = vector.broadcast %broadcast_in_dim3A_11 : i32 to vector<16xi32>
    %swap3A_13 = arith.constant 80 : i32
    %swap3A_14 = arith.index_cast %swap3A_13 : i32 to index
    %swap3A_15 = arith.constant 16 : index
    %swap3A_16 = tpu.vector_load %arg7[%swap3A_14, %swap3A_15] {strides = array<i32>} : memref<81x128xi32, #tpu.memory_space<vmem>>, vector<1x16xi32>,
    %swap3A_17 = vector.shape_cast %swap3A_16 : vector<1x16xi32> to vector<16xi32>
    %swap3A_18 = vector.shape_cast %broadcast_in_dim3A_12 : vector<16xi32> to vector<1x16xi32>
    tpu.vector_store %arg7[%swap3A_14, %swap3A_15], %swap3A_18 {strides = array<i32>} : memref<81x128xi32, #tpu.memory_space<vmem>>, vector<1x16xi32>,
    %broadcast_in_dim3A_19 = arith.constant 0 : i32
    %broadcast_in_dim3A_20 = vector.broadcast %broadcast_in_dim3A_19 : i32 to vector<16xi32>
    %swap3A_21 = arith.constant 80 : i32
    %swap3A_22 = arith.index_cast %swap3A_21 : i32 to index
    %swap3A_23 = arith.constant 32 : index
    %swap3A_24 = tpu.vector_load %arg7[%swap3A_22, %swap3A_23] {strides = array<i32>} : memref<81x128xi32, #tpu.memory_space<vmem>>, vector<1x16xi32>,
    %swap3A_25 = vector.shape_cast %swap3A_24 : vector<1x16xi32> to vector<16xi32>
    %swap3A_26 = vector.shape_cast %broadcast_in_dim3A_20 : vector<16xi32> to vector<1x16xi32>
    tpu.vector_store %arg7[%swap3A_22, %swap3A_23], %swap3A_26 {strides = array<i32>} : memref<81x128xi32, #tpu.memory_space<vmem>>, vector<1x16xi32>,
    %broadcast_in_dim3A_27 = arith.constant 0 : i32
    %broadcast_in_dim3A_28 = vector.broadcast %broadcast_in_dim3A_27 : i32 to vector<16xi32>
    %swap3A_29 = arith.constant 80 : i32
    %swap3A_30 = arith.index_cast %swap3A_29 : i32 to index
    %swap3A_31 = arith.constant 48 : index
    %swap3A_32 = tpu.vector_load %arg7[%swap3A_30, %swap3A_31] {strides = array<i32>} : memref<81x128xi32, #tpu.memory_space<vmem>>, vector<1x16xi32>,
    %swap3A_33 = vector.shape_cast %swap3A_32 : vector<1x16xi32> to vector<16xi32>
    %swap3A_34 = vector.shape_cast %broadcast_in_dim3A_28 : vector<16xi32> to vector<1x16xi32>
    tpu.vector_store %arg7[%swap3A_30, %swap3A_31], %swap3A_34 {strides = array<i32>} : memref<81x128xi32, #tpu.memory_space<vmem>>, vector<1x16xi32>,
    %broadcast_in_dim3A_35 = arith.constant 0 : i32
    %broadcast_in_dim3A_36 = vector.broadcast %broadcast_in_dim3A_35 : i32 to vector<16xi32>
    %swap3A_37 = arith.constant 80 : i32
    %swap3A_38 = arith.index_cast %swap3A_37 : i32 to index
    %swap3A_39 = arith.constant 64 : index
    %swap3A_40 = tpu.vector_load %arg7[%swap3A_38, %swap3A_39] {strides = array<i32>} : memref<81x128xi32, #tpu.memory_space<vmem>>, vector<1x16xi32>,
    %swap3A_41 = vector.shape_cast %swap3A_40 : vector<1x16xi32> to vector<16xi32>
    %swap3A_42 = vector.shape_cast %broadcast_in_dim3A_36 : vector<16xi32> to vector<1x16xi32>
    tpu.vector_store %arg7[%swap3A_38, %swap3A_39], %swap3A_42 {strides = array<i32>} : memref<81x128xi32, #tpu.memory_space<vmem>>, vector<1x16xi32>,
    %broadcast_in_dim3A_43 = arith.constant 0 : i32
    %broadcast_in_dim3A_44 = vector.broadcast %broadcast_in_dim3A_43 : i32 to vector<16xi32>
    %swap3A_45 = arith.constant 80 : i32
    %swap3A_46 = arith.index_cast %swap3A_45 : i32 to index
    %swap3A_47 = arith.constant 80 : index
    %swap3A_48 = tpu.vector_load %arg7[%swap3A_46, %swap3A_47] {strides = array<i32>} : memref<81x128xi32, #tpu.memory_space<vmem>>, vector<1x16xi32>,
    %swap3A_49 = vector.shape_cast %swap3A_48 : vector<1x16xi32> to vector<16xi32>
    %swap3A_50 = vector.shape_cast %broadcast_in_dim3A_44 : vector<16xi32> to vector<1x16xi32>
    tpu.vector_store %arg7[%swap3A_46, %swap3A_47], %swap3A_50 {strides = array<i32>} : memref<81x128xi32, #tpu.memory_space<vmem>>, vector<1x16xi32>,
    %broadcast_in_dim3A_51 = arith.constant 0 : i32
    %broadcast_in_dim3A_52 = vector.broadcast %broadcast_in_dim3A_51 : i32 to vector<16xi32>
    %swap3A_53 = arith.constant 80 : i32
    %swap3A_54 = arith.index_cast %swap3A_53 : i32 to index
    %swap3A_55 = arith.constant 96 : index
    %swap3A_56 = tpu.vector_load %arg7[%swap3A_54, %swap3A_55] {strides = array<i32>} : memref<81x128xi32, #tpu.memory_space<vmem>>, vector<1x16xi32>,
    %swap3A_57 = vector.shape_cast %swap3A_56 : vector<1x16xi32> to vector<16xi32>
    %swap3A_58 = vector.shape_cast %broadcast_in_dim3A_52 : vector<16xi32> to vector<1x16xi32>
    tpu.vector_store %arg7[%swap3A_54, %swap3A_55], %swap3A_58 {strides = array<i32>} : memref<81x128xi32, #tpu.memory_space<vmem>>, vector<1x16xi32>,
    %broadcast_in_dim3A_59 = arith.constant 0 : i32
    %broadcast_in_dim3A_60 = vector.broadcast %broadcast_in_dim3A_59 : i32 to vector<16xi32>
    %swap3A_61 = arith.constant 80 : i32
    %swap3A_62 = arith.index_cast %swap3A_61 : i32 to index
    %swap3A_63 = arith.constant 112 : index
    %swap3A_64 = tpu.vector_load %arg7[%swap3A_62, %swap3A_63] {strides = array<i32>} : memref<81x128xi32, #tpu.memory_space<vmem>>, vector<1x16xi32>,
    %swap3A_65 = vector.shape_cast %swap3A_64 : vector<1x16xi32> to vector<16xi32>
    %swap3A_66 = vector.shape_cast %broadcast_in_dim3A_60 : vector<16xi32> to vector<1x16xi32>
    tpu.vector_store %arg7[%swap3A_62, %swap3A_63], %swap3A_66 {strides = array<i32>} : memref<81x128xi32, #tpu.memory_space<vmem>>, vector<1x16xi32>,
    %mul3A_67 = arith.constant 625 : i32
    %mul3A_68 = arith.muli %arg1, %mul3A_67 : i32
    %mul3A_69 = arith.constant 625 : i32
    %mul3A_70 = arith.muli %arg1, %mul3A_69 : i32
    "tpu.region"() ({
      %run_scoped3A = tpu.sem_alloc : memref<!tpu.dma_semaphore, #tpu.memory_space<semaphore_mem>>
      %dma_start3A_96 = arith.constant 0 : i32
      %dma_start3A_97 = tpu.memref_slice %arg11[%mul3A_70, %dma_start3A_96] : memref<10000x8xf32, #tpu.memory_space<vmem_shared>> -> memref<625x8xf32, #tpu.memory_space<vmem_shared>>
      %dma_start3A_98 = arith.constant 0 : i32
      %dma_start3A_99 = tpu.memref_slice %arg2[%mul3A_68, %dma_start3A_98] : memref<10000x8xf32, #tpu.memory_space<hbm>> -> memref<625x8xf32, #tpu.memory_space<hbm>>
      tpu.enqueue_dma source(%dma_start3A_99 : memref<625x8xf32, #tpu.memory_space<hbm>>) target(%dma_start3A_97 : memref<625x8xf32, #tpu.memory_space<vmem_shared>>) target_semaphore(%run_scoped3A : memref<!tpu.dma_semaphore, #tpu.memory_space<semaphore_mem>>)
      %dma_wait3A_100 = arith.constant 0 : i32
      %dma_wait3A_101 = tpu.memref_slice %arg11[%mul3A_70, %dma_wait3A_100] : memref<10000x8xf32, #tpu.memory_space<vmem_shared>> -> memref<625x8xf32, #tpu.memory_space<vmem_shared>>
      %dma_wait3A_102 = arith.constant 0 : i32
      %dma_wait3A_103 = tpu.memref_slice %arg2[%mul3A_68, %dma_wait3A_102] : memref<10000x8xf32, #tpu.memory_space<hbm>> -> memref<625x8xf32, #tpu.memory_space<hbm>>
      tpu.wait_dma2 semaphore(%run_scoped3A : memref<!tpu.dma_semaphore, #tpu.memory_space<semaphore_mem>>) src(%dma_wait3A_103 : memref<625x8xf32, #tpu.memory_space<hbm>>) dst(%dma_wait3A_101 : memref<625x8xf32, #tpu.memory_space<vmem_shared>>)
      tpu.yield
    }) : () -> ()
    %mul3A_71 = arith.constant 632 : i32
    %mul3A_72 = arith.muli %arg1, %mul3A_71 : i32
    %mul3A_73 = arith.constant 632 : i32
    %mul3A_74 = arith.muli %arg1, %mul3A_73 : i32
    "tpu.region"() ({
      %run_scoped3A = tpu.sem_alloc : memref<!tpu.dma_semaphore, #tpu.memory_space<semaphore_mem>>
      %dma_start3A_96 = arith.constant 0 : i32
      %dma_start3A_97 = tpu.memref_slice %arg12[%mul3A_74, %dma_start3A_96] : memref<10112x8xf32, #tpu.memory_space<vmem_shared>> -> memref<632x8xf32, #tpu.memory_space<vmem_shared>>
      %dma_start3A_98 = arith.constant 0 : i32
      %dma_start3A_99 = tpu.memref_slice %arg5[%mul3A_72, %dma_start3A_98] : memref<10112x8xf32, #tpu.memory_space<hbm>> -> memref<632x8xf32, #tpu.memory_space<hbm>>
      tpu.enqueue_dma source(%dma_start3A_99 : memref<632x8xf32, #tpu.memory_space<hbm>>) target(%dma_start3A_97 : memref<632x8xf32, #tpu.memory_space<vmem_shared>>) target_semaphore(%run_scoped3A : memref<!tpu.dma_semaphore, #tpu.memory_space<semaphore_mem>>)
      %dma_wait3A_100 = arith.constant 0 : i32
      %dma_wait3A_101 = tpu.memref_slice %arg12[%mul3A_74, %dma_wait3A_100] : memref<10112x8xf32, #tpu.memory_space<vmem_shared>> -> memref<632x8xf32, #tpu.memory_space<vmem_shared>>
      %dma_wait3A_102 = arith.constant 0 : i32
      %dma_wait3A_103 = tpu.memref_slice %arg5[%mul3A_72, %dma_wait3A_102] : memref<10112x8xf32, #tpu.memory_space<hbm>> -> memref<632x8xf32, #tpu.memory_space<hbm>>
      tpu.wait_dma2 semaphore(%run_scoped3A : memref<!tpu.dma_semaphore, #tpu.memory_space<semaphore_mem>>) src(%dma_wait3A_103 : memref<632x8xf32, #tpu.memory_space<hbm>>) dst(%dma_wait3A_101 : memref<632x8xf32, #tpu.memory_space<vmem_shared>>)
      tpu.yield
    }) : () -> ()
    %barrier3A = arith.constant 0 : index
    tpu.barrier barrier_id(%barrier3A)
    %dma_start3A = arith.constant 0 : i32
    %dma_start3A_75 = arith.constant 0 : i32
    %dma_start3A_76 = tpu.memref_slice %arg7[%dma_start3A, %dma_start3A_75] : memref<81x128xi32, #tpu.memory_space<vmem>> -> memref<1x128xi32, #tpu.memory_space<vmem>>
    %dma_start3A_77 = tpu.memref_squeeze %dma_start3A_76 : memref<1x128xi32, #tpu.memory_space<vmem>> -> memref<128xi32, #tpu.memory_space<vmem>>
    %dma_start3A_78 = arith.constant 0 : i32
    %dma_start3A_79 = arith.constant 0 : i32
    %dma_start3A_80 = tpu.memref_slice %arg11[%dma_start3A_78, %dma_start3A_79] : memref<10000x8xf32, #tpu.memory_space<vmem_shared>> -> memref<10000x8xf32, #tpu.memory_space<vmem_shared>>
    tpu.enqueue_indirect_dma source(%dma_start3A_80 : memref<10000x8xf32, #tpu.memory_space<vmem_shared>>) target(%arg9 : memref<128x8xf32, #tpu.memory_space<vmem>>) offsets(%dma_start3A_77 : memref<128xi32, #tpu.memory_space<vmem>>) semaphore(%arg13 : memref<!tpu.dma_semaphore, #tpu.memory_space<semaphore_mem>>)
    %scan3A = arith.constant 0 : i32
    %scan3A_81 = arith.constant 40 : i32
    %scan3A_82 = arith.addi %scan3A, %scan3A_81 : i32
    %scan3A_83 = arith.constant 1 : i32
    scf.for %scan3A_96 = %scan3A to %scan3A_82 step %scan3A_83  : i32 {
      %mul3A_97 = arith.constant 2 : i32
      %mul3A_98 = arith.muli %scan3A_96, %mul3A_97 : i32
      %add3A_99 = arith.constant 0 : i32
      %add3A_100 = arith.addi %add3A_99, %mul3A_98 : i32
      %add3A_101 = arith.constant 1 : i32
      %add3A_102 = arith.addi %add3A_100, %add3A_101 : i32
      %dma_start3A_103 = arith.constant 0 : i32
      %dma_start3A_104 = tpu.memref_slice %arg7[%add3A_102, %dma_start3A_103] : memref<81x128xi32, #tpu.memory_space<vmem>> -> memref<1x128xi32, #tpu.memory_space<vmem>>
      %dma_start3A_105 = tpu.memref_squeeze %dma_start3A_104 : memref<1x128xi32, #tpu.memory_space<vmem>> -> memref<128xi32, #tpu.memory_space<vmem>>
      %dma_start3A_106 = arith.constant 0 : i32
      %dma_start3A_107 = arith.constant 0 : i32
      %dma_start3A_108 = tpu.memref_slice %arg11[%dma_start3A_106, %dma_start3A_107] : memref<10000x8xf32, #tpu.memory_space<vmem_shared>> -> memref<10000x8xf32, #tpu.memory_space<vmem_shared>>
      tpu.enqueue_indirect_dma source(%dma_start3A_108 : memref<10000x8xf32, #tpu.memory_space<vmem_shared>>) target(%arg10 : memref<128x8xf32, #tpu.memory_space<vmem>>) offsets(%dma_start3A_105 : memref<128xi32, #tpu.memory_space<vmem>>) semaphore(%arg14 : memref<!tpu.dma_semaphore, #tpu.memory_space<semaphore_mem>>)
      %dma_wait3A_109 = arith.constant 0 : i32
      %dma_wait3A_110 = tpu.memref_slice %arg7[%add3A_100, %dma_wait3A_109] : memref<81x128xi32, #tpu.memory_space<vmem>> -> memref<1x128xi32, #tpu.memory_space<vmem>>
      %dma_wait3A_111 = tpu.memref_squeeze %dma_wait3A_110 : memref<1x128xi32, #tpu.memory_space<vmem>> -> memref<128xi32, #tpu.memory_space<vmem>>
      %dma_wait3A_112 = arith.constant 0 : i32
      %dma_wait3A_113 = arith.constant 0 : i32
      %dma_wait3A_114 = tpu.memref_slice %arg11[%dma_wait3A_112, %dma_wait3A_113] : memref<10000x8xf32, #tpu.memory_space<vmem_shared>> -> memref<10000x8xf32, #tpu.memory_space<vmem_shared>>
      tpu.wait_indirect_dma semaphore(%arg13 : memref<!tpu.dma_semaphore, #tpu.memory_space<semaphore_mem>>) src(%dma_wait3A_114 : memref<10000x8xf32, #tpu.memory_space<vmem_shared>>) dst(%arg9 : memref<128x8xf32, #tpu.memory_space<vmem>>)
      "tpu.region"() ({
        %run_scoped3A = tpu.sem_alloc : memref<!tpu.dma_semaphore, #tpu.memory_space<semaphore_mem>>
        %dma_start3A_133 = arith.constant 0 : i32
        %dma_start3A_134 = tpu.memref_slice %arg8[%add3A_100, %dma_start3A_133] : memref<80x128xi32, #tpu.memory_space<vmem>> -> memref<1x128xi32, #tpu.memory_space<vmem>>
        %dma_start3A_135 = tpu.memref_squeeze %dma_start3A_134 : memref<1x128xi32, #tpu.memory_space<vmem>> -> memref<128xi32, #tpu.memory_space<vmem>>
        %dma_start3A_136 = arith.constant 0 : i32
        %dma_start3A_137 = arith.constant 0 : i32
        %dma_start3A_138 = tpu.memref_slice %arg12[%dma_start3A_136, %dma_start3A_137] : memref<10112x8xf32, #tpu.memory_space<vmem_shared>> -> memref<10112x8xf32, #tpu.memory_space<vmem_shared>>
        tpu.enqueue_indirect_dma source(%arg9 : memref<128x8xf32, #tpu.memory_space<vmem>>) target(%dma_start3A_138 : memref<10112x8xf32, #tpu.memory_space<vmem_shared>>) offsets(%dma_start3A_135 : memref<128xi32, #tpu.memory_space<vmem>>) semaphore(%run_scoped3A : memref<!tpu.dma_semaphore, #tpu.memory_space<semaphore_mem>>) {add = true}
        %dma_wait3A_139 = arith.constant 0 : i32
        %dma_wait3A_140 = tpu.memref_slice %arg8[%add3A_100, %dma_wait3A_139] : memref<80x128xi32, #tpu.memory_space<vmem>> -> memref<1x128xi32, #tpu.memory_space<vmem>>
        %dma_wait3A_141 = tpu.memref_squeeze %dma_wait3A_140 : memref<1x128xi32, #tpu.memory_space<vmem>> -> memref<128xi32, #tpu.memory_space<vmem>>
        %dma_wait3A_142 = arith.constant 0 : i32
        %dma_wait3A_143 = arith.constant 0 : i32
        %dma_wait3A_144 = tpu.memref_slice %arg12[%dma_wait3A_142, %dma_wait3A_143] : memref<10112x8xf32, #tpu.memory_space<vmem_shared>> -> memref<10112x8xf32, #tpu.memory_space<vmem_shared>>
        tpu.wait_indirect_dma semaphore(%run_scoped3A : memref<!tpu.dma_semaphore, #tpu.memory_space<semaphore_mem>>) src(%arg9 : memref<128x8xf32, #tpu.memory_space<vmem>>) dst(%dma_wait3A_144 : memref<10112x8xf32, #tpu.memory_space<vmem_shared>>)
        tpu.yield
      }) : () -> ()
      %add3A_115 = arith.constant 2 : i32
      %add3A_116 = arith.addi %add3A_100, %add3A_115 : i32
      %dma_start3A_117 = arith.constant 0 : i32
      %dma_start3A_118 = tpu.memref_slice %arg7[%add3A_116, %dma_start3A_117] : memref<81x128xi32, #tpu.memory_space<vmem>> -> memref<1x128xi32, #tpu.memory_space<vmem>>
      %dma_start3A_119 = tpu.memref_squeeze %dma_start3A_118 : memref<1x128xi32, #tpu.memory_space<vmem>> -> memref<128xi32, #tpu.memory_space<vmem>>
      %dma_start3A_120 = arith.constant 0 : i32
      %dma_start3A_121 = arith.constant 0 : i32
      %dma_start3A_122 = tpu.memref_slice %arg11[%dma_start3A_120, %dma_start3A_121] : memref<10000x8xf32, #tpu.memory_space<vmem_shared>> -> memref<10000x8xf32, #tpu.memory_space<vmem_shared>>
      tpu.enqueue_indirect_dma source(%dma_start3A_122 : memref<10000x8xf32, #tpu.memory_space<vmem_shared>>) target(%arg9 : memref<128x8xf32, #tpu.memory_space<vmem>>) offsets(%dma_start3A_119 : memref<128xi32, #tpu.memory_space<vmem>>) semaphore(%arg13 : memref<!tpu.dma_semaphore, #tpu.memory_space<semaphore_mem>>)
      %add3A_123 = arith.constant 1 : i32
      %add3A_124 = arith.addi %add3A_100, %add3A_123 : i32
      %dma_wait3A_125 = arith.constant 0 : i32
      %dma_wait3A_126 = tpu.memref_slice %arg7[%add3A_124, %dma_wait3A_125] : memref<81x128xi32, #tpu.memory_space<vmem>> -> memref<1x128xi32, #tpu.memory_space<vmem>>
      %dma_wait3A_127 = tpu.memref_squeeze %dma_wait3A_126 : memref<1x128xi32, #tpu.memory_space<vmem>> -> memref<128xi32, #tpu.memory_space<vmem>>
      %dma_wait3A_128 = arith.constant 0 : i32
      %dma_wait3A_129 = arith.constant 0 : i32
      %dma_wait3A_130 = tpu.memref_slice %arg11[%dma_wait3A_128, %dma_wait3A_129] : memref<10000x8xf32, #tpu.memory_space<vmem_shared>> -> memref<10000x8xf32, #tpu.memory_space<vmem_shared>>
      tpu.wait_indirect_dma semaphore(%arg14 : memref<!tpu.dma_semaphore, #tpu.memory_space<semaphore_mem>>) src(%dma_wait3A_130 : memref<10000x8xf32, #tpu.memory_space<vmem_shared>>) dst(%arg10 : memref<128x8xf32, #tpu.memory_space<vmem>>)
      %add3A_131 = arith.constant 1 : i32
      %add3A_132 = arith.addi %add3A_100, %add3A_131 : i32
      "tpu.region"() ({
        %run_scoped3A = tpu.sem_alloc : memref<!tpu.dma_semaphore, #tpu.memory_space<semaphore_mem>>
        %dma_start3A_133 = arith.constant 0 : i32
        %dma_start3A_134 = tpu.memref_slice %arg8[%add3A_132, %dma_start3A_133] : memref<80x128xi32, #tpu.memory_space<vmem>> -> memref<1x128xi32, #tpu.memory_space<vmem>>
        %dma_start3A_135 = tpu.memref_squeeze %dma_start3A_134 : memref<1x128xi32, #tpu.memory_space<vmem>> -> memref<128xi32, #tpu.memory_space<vmem>>
        %dma_start3A_136 = arith.constant 0 : i32
        %dma_start3A_137 = arith.constant 0 : i32
        %dma_start3A_138 = tpu.memref_slice %arg12[%dma_start3A_136, %dma_start3A_137] : memref<10112x8xf32, #tpu.memory_space<vmem_shared>> -> memref<10112x8xf32, #tpu.memory_space<vmem_shared>>
        tpu.enqueue_indirect_dma source(%arg10 : memref<128x8xf32, #tpu.memory_space<vmem>>) target(%dma_start3A_138 : memref<10112x8xf32, #tpu.memory_space<vmem_shared>>) offsets(%dma_start3A_135 : memref<128xi32, #tpu.memory_space<vmem>>) semaphore(%run_scoped3A : memref<!tpu.dma_semaphore, #tpu.memory_space<semaphore_mem>>) {add = true}
        %dma_wait3A_139 = arith.constant 0 : i32
        %dma_wait3A_140 = tpu.memref_slice %arg8[%add3A_132, %dma_wait3A_139] : memref<80x128xi32, #tpu.memory_space<vmem>> -> memref<1x128xi32, #tpu.memory_space<vmem>>
        %dma_wait3A_141 = tpu.memref_squeeze %dma_wait3A_140 : memref<1x128xi32, #tpu.memory_space<vmem>> -> memref<128xi32, #tpu.memory_space<vmem>>
        %dma_wait3A_142 = arith.constant 0 : i32
        %dma_wait3A_143 = arith.constant 0 : i32
        %dma_wait3A_144 = tpu.memref_slice %arg12[%dma_wait3A_142, %dma_wait3A_143] : memref<10112x8xf32, #tpu.memory_space<vmem_shared>> -> memref<10112x8xf32, #tpu.memory_space<vmem_shared>>
        tpu.wait_indirect_dma semaphore(%run_scoped3A : memref<!tpu.dma_semaphore, #tpu.memory_space<semaphore_mem>>) src(%arg10 : memref<128x8xf32, #tpu.memory_space<vmem>>) dst(%dma_wait3A_144 : memref<10112x8xf32, #tpu.memory_space<vmem_shared>>)
        tpu.yield
      }) : () -> ()
    }
    %scan3A_84 = arith.constant 40 : i32
    %dma_wait3A = arith.constant 80 : i32
    %dma_wait3A_85 = arith.constant 0 : i32
    %dma_wait3A_86 = tpu.memref_slice %arg7[%dma_wait3A, %dma_wait3A_85] : memref<81x128xi32, #tpu.memory_space<vmem>> -> memref<1x128xi32, #tpu.memory_space<vmem>>
    %dma_wait3A_87 = tpu.memref_squeeze %dma_wait3A_86 : memref<1x128xi32, #tpu.memory_space<vmem>> -> memref<128xi32, #tpu.memory_space<vmem>>
    %dma_wait3A_88 = arith.constant 0 : i32
    %dma_wait3A_89 = arith.constant 0 : i32
    %dma_wait3A_90 = tpu.memref_slice %arg11[%dma_wait3A_88, %dma_wait3A_89] : memref<10000x8xf32, #tpu.memory_space<vmem_shared>> -> memref<10000x8xf32, #tpu.memory_space<vmem_shared>>
    tpu.wait_indirect_dma semaphore(%arg13 : memref<!tpu.dma_semaphore, #tpu.memory_space<semaphore_mem>>) src(%dma_wait3A_90 : memref<10000x8xf32, #tpu.memory_space<vmem_shared>>) dst(%arg9 : memref<128x8xf32, #tpu.memory_space<vmem>>)
    %barrier3A_91 = arith.constant 0 : index
    tpu.barrier barrier_id(%barrier3A_91)
    %mul3A_92 = arith.constant 632 : i32
    %mul3A_93 = arith.muli %arg1, %mul3A_92 : i32
    %mul3A_94 = arith.constant 632 : i32
    %mul3A_95 = arith.muli %arg1, %mul3A_94 : i32
    "tpu.region"() ({
      %run_scoped3A = tpu.sem_alloc : memref<!tpu.dma_semaphore, #tpu.memory_space<semaphore_mem>>
      %dma_start3A_96 = arith.constant 0 : i32
      %dma_start3A_97 = tpu.memref_slice %arg6[%arg0, %mul3A_95, %dma_start3A_96] : memref<2x10112x8xf32, #tpu.memory_space<hbm>> -> memref<1x632x8xf32, #tpu.memory_space<hbm>>
      %dma_start3A_98 = tpu.memref_squeeze %dma_start3A_97 : memref<1x632x8xf32, #tpu.memory_space<hbm>> -> memref<632x8xf32, #tpu.memory_space<hbm>>
      %dma_start3A_99 = arith.constant 0 : i32
      %dma_start3A_100 = tpu.memref_slice %arg12[%mul3A_93, %dma_start3A_99] : memref<10112x8xf32, #tpu.memory_space<vmem_shared>> -> memref<632x8xf32, #tpu.memory_space<vmem_shared>>
      tpu.enqueue_dma source(%dma_start3A_100 : memref<632x8xf32, #tpu.memory_space<vmem_shared>>) target(%dma_start3A_98 : memref<632x8xf32, #tpu.memory_space<hbm>>) target_semaphore(%run_scoped3A : memref<!tpu.dma_semaphore, #tpu.memory_space<semaphore_mem>>)
      %dma_wait3A_101 = arith.constant 0 : i32
      %dma_wait3A_102 = tpu.memref_slice %arg6[%arg0, %mul3A_95, %dma_wait3A_101] : memref<2x10112x8xf32, #tpu.memory_space<hbm>> -> memref<1x632x8xf32, #tpu.memory_space<hbm>>
      %dma_wait3A_103 = tpu.memref_squeeze %dma_wait3A_102 : memref<1x632x8xf32, #tpu.memory_space<hbm>> -> memref<632x8xf32, #tpu.memory_space<hbm>>
      %dma_wait3A_104 = arith.constant 0 : i32
      %dma_wait3A_105 = tpu.memref_slice %arg12[%mul3A_93, %dma_wait3A_104] : memref<10112x8xf32, #tpu.memory_space<vmem_shared>> -> memref<632x8xf32, #tpu.memory_space<vmem_shared>>
      tpu.wait_dma2 semaphore(%run_scoped3A : memref<!tpu.dma_semaphore, #tpu.memory_space<semaphore_mem>>) src(%dma_wait3A_105 : memref<632x8xf32, #tpu.memory_space<vmem_shared>>) dst(%dma_wait3A_103 : memref<632x8xf32, #tpu.memory_space<hbm>>)
      tpu.yield
    }) : () -> ()
    return
  }
}

module attributes {stable_mosaic.version = 14 : i64} {
  func.func @_tc1_body(%arg0: i32, %arg1: memref<2x1000x8xf32, #tpu.memory_space<vmem>>, %arg2: memref<1000x128xf32, #tpu.memory_space<vmem>>, %arg3: memref<128x64xf32, #tpu.memory_space<vmem>>, %arg4: memref<1000x64xf32, #tpu.memory_space<vmem>>, %arg5: memref<1000x1xf32, #tpu.memory_space<vmem>>) attributes {dimension_semantics = [#tpu.dimension_semantics<arbitrary>], iteration_bounds = array<i64: 10>, scalar_prefetch = 0 : i64, scratch_operands = 0 : i64, tpu.core_type = #tpu.core_type<tc>, window_params = [{transform_indices = @transform_0, window_bounds = array<i64: 2, 1000, 8>}, {transform_indices = @transform_1, window_bounds = array<i64: 1000, 128>}, {pipeline_mode = #tpu.pipeline_mode<synchronous>, transform_indices = @transform_2, window_bounds = array<i64: 128, 64>}, {transform_indices = @transform_3, window_bounds = array<i64: 1000, 64>}, {transform_indices = @transform_4, window_bounds = array<i64: 1000, 1>}]} {
    %get3A = arith.constant 0 : index
    %get3A_0 = arith.constant 0 : index
    %get3A_1 = arith.constant 0 : index
    %get3A_2 = vector.load %arg1[%get3A, %get3A_0, %get3A_1] : memref<2x1000x8xf32, #tpu.memory_space<vmem>>, vector<1x1000x1xf32>
    %get3A_3 = vector.shape_cast %get3A_2 : vector<1x1000x1xf32> to vector<1000x1xf32>
    %get3A_4 = arith.constant 1 : index
    %get3A_5 = arith.constant 0 : index
    %get3A_6 = arith.constant 0 : index
    %get3A_7 = vector.load %arg1[%get3A_4, %get3A_5, %get3A_6] : memref<2x1000x8xf32, #tpu.memory_space<vmem>>, vector<1x1000x1xf32>
    %get3A_8 = vector.shape_cast %get3A_7 : vector<1x1000x1xf32> to vector<1000x1xf32>
    %add3A = arith.addf %get3A_3, %get3A_8 : vector<1000x1xf32>
    %add3A_9 = arith.constant 1.000000e+00 : f32
    %add3A_10 = vector.broadcast %add3A_9 : f32 to vector<1000x1xf32>
    %add3A_11 = arith.addf %add3A, %add3A_10 : vector<1000x1xf32>
    %rsqrt3A = math.rsqrt %add3A_11 : vector<1000x1xf32>
    %get3A_12 = arith.constant 0 : index
    %get3A_13 = arith.constant 0 : index
    %get3A_14 = vector.load %arg2[%get3A_12, %get3A_13] : memref<1000x128xf32, #tpu.memory_space<vmem>>, vector<1000x128xf32>
    %get3A_15 = arith.constant 0 : index
    %get3A_16 = arith.constant 0 : index
    %get3A_17 = vector.load %arg3[%get3A_15, %get3A_16] : memref<128x64xf32, #tpu.memory_space<vmem>>, vector<128x64xf32>
    %dot_general3A = arith.constant dense<0.000000e+00> : vector<1000x64xf32>
    %dot_general3A_18 = tpu.matmul %get3A_14, %get3A_17, %dot_general3A {dimension_numbers = #tpu.dot_dimension_numbers<[1], [0], [0], [1], [0, 0, 1, 1], [], []>, transpose_lhs_hint = false} : vector<1000x128xf32>, vector<128x64xf32>, vector<1000x64xf32> -> vector<1000x64xf32>
    %mul3A = vector.broadcast %rsqrt3A : vector<1000x1xf32> to vector<1000x64xf32>
    %mul3A_19 = arith.mulf %dot_general3A_18, %mul3A : vector<1000x64xf32>
    %swap3A = arith.constant 0 : index
    %swap3A_20 = arith.constant 0 : index
    %swap3A_21 = vector.load %arg4[%swap3A, %swap3A_20] : memref<1000x64xf32, #tpu.memory_space<vmem>>, vector<1000x64xf32>
    tpu.vector_store %arg4[%swap3A, %swap3A_20], %mul3A_19 {strides = array<i32>} : memref<1000x64xf32, #tpu.memory_space<vmem>>, vector<1000x64xf32>,
    %swap3A_22 = arith.constant 0 : index
    %swap3A_23 = arith.constant 0 : index
    %swap3A_24 = vector.load %arg5[%swap3A_22, %swap3A_23] : memref<1000x1xf32, #tpu.memory_space<vmem>>, vector<1000x1xf32>
    tpu.vector_store %arg5[%swap3A_22, %swap3A_23], %rsqrt3A {strides = array<i32>} : memref<1000x1xf32, #tpu.memory_space<vmem>>, vector<1000x1xf32>,
    return
  }
  func.func @transform_0(%arg0: i32) -> (i32, i32, i32) {
    %c0_i32 = arith.constant 0 : i32
    %c0_i32_0 = arith.constant 0 : i32
    %c0_i32_1 = arith.constant 0 : i32
    return %c0_i32, %arg0, %c0_i32_0 : i32, i32, i32
  }
  func.func @transform_1(%arg0: i32) -> (i32, i32) {
    %c0_i32 = arith.constant 0 : i32
    %c0_i32_0 = arith.constant 0 : i32
    return %arg0, %c0_i32 : i32, i32
  }
  func.func @transform_2(%arg0: i32) -> (i32, i32) {
    %c0_i32 = arith.constant 0 : i32
    %c0_i32_0 = arith.constant 0 : i32
    %c0_i32_1 = arith.constant 0 : i32
    return %c0_i32, %c0_i32_0 : i32, i32
  }
  func.func @transform_3(%arg0: i32) -> (i32, i32) {
    %c0_i32 = arith.constant 0 : i32
    %c0_i32_0 = arith.constant 0 : i32
    return %arg0, %c0_i32 : i32, i32
  }
  func.func @transform_4(%arg0: i32) -> (i32, i32) {
    %c0_i32 = arith.constant 0 : i32
    %c0_i32_0 = arith.constant 0 : i32
    return %arg0, %c0_i32 : i32, i32
  }
}

module attributes {stable_mosaic.version = 14 : i64} {
  func.func @_tc2_body(%arg0: i32, %arg1: memref<2x1000x64xf32, #tpu.memory_space<vmem>>, %arg2: memref<1000x64xf32, #tpu.memory_space<vmem>>, %arg3: memref<1000x1xf32, #tpu.memory_space<vmem>>, %arg4: memref<1x64xf32, #tpu.memory_space<vmem>>, %arg5: memref<64x8xf32, #tpu.memory_space<vmem>>, %arg6: memref<1000x8xf32, #tpu.memory_space<vmem>>) attributes {dimension_semantics = [#tpu.dimension_semantics<arbitrary>], iteration_bounds = array<i64: 10>, scalar_prefetch = 0 : i64, scratch_operands = 0 : i64, tpu.core_type = #tpu.core_type<tc>, window_params = [{transform_indices = @transform_0, window_bounds = array<i64: 2, 1000, 64>}, {transform_indices = @transform_1, window_bounds = array<i64: 1000, 64>}, {transform_indices = @transform_2, window_bounds = array<i64: 1000, 1>}, {pipeline_mode = #tpu.pipeline_mode<synchronous>, transform_indices = @transform_3, window_bounds = array<i64: 1, 64>}, {pipeline_mode = #tpu.pipeline_mode<synchronous>, transform_indices = @transform_4, window_bounds = array<i64: 64, 8>}, {transform_indices = @transform_5, window_bounds = array<i64: 1000, 8>}]} {
    %get3A = arith.constant 0 : index
    %get3A_0 = arith.constant 0 : index
    %get3A_1 = arith.constant 0 : index
    %get3A_2 = vector.load %arg1[%get3A, %get3A_0, %get3A_1] : memref<2x1000x64xf32, #tpu.memory_space<vmem>>, vector<1x1000x64xf32>
    %get3A_3 = vector.shape_cast %get3A_2 : vector<1x1000x64xf32> to vector<1000x64xf32>
    %get3A_4 = arith.constant 1 : index
    %get3A_5 = arith.constant 0 : index
    %get3A_6 = arith.constant 0 : index
    %get3A_7 = vector.load %arg1[%get3A_4, %get3A_5, %get3A_6] : memref<2x1000x64xf32, #tpu.memory_space<vmem>>, vector<1x1000x64xf32>
    %get3A_8 = vector.shape_cast %get3A_7 : vector<1x1000x64xf32> to vector<1000x64xf32>
    %add3A = arith.addf %get3A_3, %get3A_8 : vector<1000x64xf32>
    %get3A_9 = arith.constant 0 : index
    %get3A_10 = arith.constant 0 : index
    %get3A_11 = vector.load %arg3[%get3A_9, %get3A_10] : memref<1000x1xf32, #tpu.memory_space<vmem>>, vector<1000x1xf32>
    %get3A_12 = arith.constant 0 : index
    %get3A_13 = arith.constant 0 : index
    %get3A_14 = vector.load %arg2[%get3A_12, %get3A_13] : memref<1000x64xf32, #tpu.memory_space<vmem>>, vector<1000x64xf32>
    %add3A_15 = arith.addf %add3A, %get3A_14 : vector<1000x64xf32>
    %mul3A = vector.broadcast %get3A_11 : vector<1000x1xf32> to vector<1000x64xf32>
    %mul3A_16 = arith.mulf %add3A_15, %mul3A : vector<1000x64xf32>
    %get3A_17 = arith.constant 0 : index
    %get3A_18 = arith.constant 0 : index
    %get3A_19 = vector.load %arg4[%get3A_17, %get3A_18] : memref<1x64xf32, #tpu.memory_space<vmem>>, vector<1x64xf32>
    %add3A_20 = vector.broadcast %get3A_19 : vector<1x64xf32> to vector<1000x64xf32>
    %add3A_21 = arith.addf %mul3A_16, %add3A_20 : vector<1000x64xf32>
    %max3A = arith.constant 0.000000e+00 : f32
    %max3A_22 = vector.broadcast %max3A : f32 to vector<1000x64xf32>
    %max3A_23 = arith.maximumf %add3A_21, %max3A_22 : vector<1000x64xf32>
    %get3A_24 = arith.constant 0 : index
    %get3A_25 = arith.constant 0 : index
    %get3A_26 = vector.load %arg5[%get3A_24, %get3A_25] : memref<64x8xf32, #tpu.memory_space<vmem>>, vector<64x8xf32>
    %dot_general3A = arith.constant dense<0.000000e+00> : vector<1000x8xf32>
    %dot_general3A_27 = tpu.matmul %max3A_23, %get3A_26, %dot_general3A {dimension_numbers = #tpu.dot_dimension_numbers<[1], [0], [0], [1], [0, 0, 1, 1], [], []>, transpose_lhs_hint = false} : vector<1000x64xf32>, vector<64x8xf32>, vector<1000x8xf32> -> vector<1000x8xf32>
    %mul3A_28 = vector.broadcast %get3A_11 : vector<1000x1xf32> to vector<1000x8xf32>
    %mul3A_29 = arith.mulf %dot_general3A_27, %mul3A_28 : vector<1000x8xf32>
    %swap3A = arith.constant 0 : index
    %swap3A_30 = arith.constant 0 : index
    %swap3A_31 = vector.load %arg6[%swap3A, %swap3A_30] : memref<1000x8xf32, #tpu.memory_space<vmem>>, vector<1000x8xf32>
    tpu.vector_store %arg6[%swap3A, %swap3A_30], %mul3A_29 {strides = array<i32>} : memref<1000x8xf32, #tpu.memory_space<vmem>>, vector<1000x8xf32>,
    return
  }
  func.func @transform_0(%arg0: i32) -> (i32, i32, i32) {
    %c0_i32 = arith.constant 0 : i32
    %c0_i32_0 = arith.constant 0 : i32
    %c0_i32_1 = arith.constant 0 : i32
    return %c0_i32, %arg0, %c0_i32_0 : i32, i32, i32
  }
  func.func @transform_1(%arg0: i32) -> (i32, i32) {
    %c0_i32 = arith.constant 0 : i32
    %c0_i32_0 = arith.constant 0 : i32
    return %arg0, %c0_i32 : i32, i32
  }
  func.func @transform_2(%arg0: i32) -> (i32, i32) {
    %c0_i32 = arith.constant 0 : i32
    %c0_i32_0 = arith.constant 0 : i32
    return %arg0, %c0_i32 : i32, i32
  }
  func.func @transform_3(%arg0: i32) -> (i32, i32) {
    %c0_i32 = arith.constant 0 : i32
    %c0_i32_0 = arith.constant 0 : i32
    %c0_i32_1 = arith.constant 0 : i32
    return %c0_i32, %c0_i32_0 : i32, i32
  }
  func.func @transform_4(%arg0: i32) -> (i32, i32) {
    %c0_i32 = arith.constant 0 : i32
    %c0_i32_0 = arith.constant 0 : i32
    %c0_i32_1 = arith.constant 0 : i32
    return %c0_i32, %c0_i32_0 : i32, i32
  }
  func.func @transform_5(%arg0: i32) -> (i32, i32) {
    %c0_i32 = arith.constant 0 : i32
    %c0_i32_0 = arith.constant 0 : i32
    return %arg0, %c0_i32 : i32, i32
  }
}

module attributes {stable_mosaic.version = 14 : i64} {
  func.func @_tc3_body(%arg0: i32, %arg1: memref<2x1000x8xf32, #tpu.memory_space<vmem>>, %arg2: memref<1000x8xf32, #tpu.memory_space<vmem>>, %arg3: memref<1000x1xf32, #tpu.memory_space<vmem>>, %arg4: memref<1x2xf32, #tpu.memory_space<vmem>>, %arg5: memref<1000x2xf32, #tpu.memory_space<vmem>>) attributes {dimension_semantics = [#tpu.dimension_semantics<arbitrary>], iteration_bounds = array<i64: 10>, scalar_prefetch = 0 : i64, scratch_operands = 0 : i64, tpu.core_type = #tpu.core_type<tc>, window_params = [{transform_indices = @transform_0, window_bounds = array<i64: 2, 1000, 8>}, {transform_indices = @transform_1, window_bounds = array<i64: 1000, 8>}, {transform_indices = @transform_2, window_bounds = array<i64: 1000, 1>}, {pipeline_mode = #tpu.pipeline_mode<synchronous>, transform_indices = @transform_3, window_bounds = array<i64: 1, 2>}, {transform_indices = @transform_4, window_bounds = array<i64: 1000, 2>}]} {
    %get3A = arith.constant 0 : index
    %get3A_0 = arith.constant 0 : index
    %get3A_1 = arith.constant 0 : index
    %get3A_2 = vector.load %arg1[%get3A, %get3A_0, %get3A_1] : memref<2x1000x8xf32, #tpu.memory_space<vmem>>, vector<1x1000x2xf32>
    %get3A_3 = vector.shape_cast %get3A_2 : vector<1x1000x2xf32> to vector<1000x2xf32>
    %get3A_4 = arith.constant 1 : index
    %get3A_5 = arith.constant 0 : index
    %get3A_6 = arith.constant 0 : index
    %get3A_7 = vector.load %arg1[%get3A_4, %get3A_5, %get3A_6] : memref<2x1000x8xf32, #tpu.memory_space<vmem>>, vector<1x1000x2xf32>
    %get3A_8 = vector.shape_cast %get3A_7 : vector<1x1000x2xf32> to vector<1000x2xf32>
    %add3A = arith.addf %get3A_3, %get3A_8 : vector<1000x2xf32>
    %get3A_9 = arith.constant 0 : index
    %get3A_10 = arith.constant 0 : index
    %get3A_11 = vector.load %arg2[%get3A_9, %get3A_10] : memref<1000x8xf32, #tpu.memory_space<vmem>>, vector<1000x2xf32>
    %add3A_12 = arith.addf %add3A, %get3A_11 : vector<1000x2xf32>
    %get3A_13 = arith.constant 0 : index
    %get3A_14 = arith.constant 0 : index
    %get3A_15 = vector.load %arg3[%get3A_13, %get3A_14] : memref<1000x1xf32, #tpu.memory_space<vmem>>, vector<1000x1xf32>
    %mul3A = vector.broadcast %get3A_15 : vector<1000x1xf32> to vector<1000x2xf32>
    %mul3A_16 = arith.mulf %add3A_12, %mul3A : vector<1000x2xf32>
    %get3A_17 = arith.constant 0 : index
    %get3A_18 = arith.constant 0 : index
    %get3A_19 = vector.load %arg4[%get3A_17, %get3A_18] : memref<1x2xf32, #tpu.memory_space<vmem>>, vector<1x2xf32>
    %add3A_20 = vector.broadcast %get3A_19 : vector<1x2xf32> to vector<1000x2xf32>
    %add3A_21 = arith.addf %mul3A_16, %add3A_20 : vector<1000x2xf32>
    %swap3A = arith.constant 0 : index
    %swap3A_22 = arith.constant 0 : index
    %swap3A_23 = vector.load %arg5[%swap3A, %swap3A_22] : memref<1000x2xf32, #tpu.memory_space<vmem>>, vector<1000x2xf32>
    tpu.vector_store %arg5[%swap3A, %swap3A_22], %add3A_21 {strides = array<i32>} : memref<1000x2xf32, #tpu.memory_space<vmem>>, vector<1000x2xf32>,
    return
  }
  func.func @transform_0(%arg0: i32) -> (i32, i32, i32) {
    %c0_i32 = arith.constant 0 : i32
    %c0_i32_0 = arith.constant 0 : i32
    %c0_i32_1 = arith.constant 0 : i32
    return %c0_i32, %arg0, %c0_i32_0 : i32, i32, i32
  }
  func.func @transform_1(%arg0: i32) -> (i32, i32) {
    %c0_i32 = arith.constant 0 : i32
    %c0_i32_0 = arith.constant 0 : i32
    return %arg0, %c0_i32 : i32, i32
  }
  func.func @transform_2(%arg0: i32) -> (i32, i32) {
    %c0_i32 = arith.constant 0 : i32
    %c0_i32_0 = arith.constant 0 : i32
    return %arg0, %c0_i32 : i32, i32
  }
  func.func @transform_3(%arg0: i32) -> (i32, i32) {
    %c0_i32 = arith.constant 0 : i32
    %c0_i32_0 = arith.constant 0 : i32
    %c0_i32_1 = arith.constant 0 : i32
    return %c0_i32, %c0_i32_0 : i32, i32
  }
  func.func @transform_4(%arg0: i32) -> (i32, i32) {
    %c0_i32 = arith.constant 0 : i32
    %c0_i32_0 = arith.constant 0 : i32
    return %arg0, %c0_i32 : i32, i32
  }
}

</mosaic_0001>

<sc_bundles>
// kernel: kernel.11.cloned.1.call-start
scs
__scs_entry_jumppad:
0x0: {  	(pc) =	sbr.rel $0x88, $3  }
0x1: {  	(tag) =	ssettag $0x0;
	lr =	simm.s32 $0x1  }
0x2: {  	[smem:$0x3F9B] =	sst lr;
	_ =	strace $0xD0000000  }
0x3: {  	_ = 	snop  }
0x4: {  	_ = 	snop  }
0x5: {  	_ = 	snop  }
0x6: {  	_ = 	snop  }
0x7: {  	_ = 	snop  }
__scs_overlays_trampoline_lowered:
0x8: {  	[smem:$0x3FAA] =	sst s0  }
0x9: {  	[smem:$0x3FAB] =	sst s1  }
0xa: {  	[smem:$0x3FAC] =	sst s2  }
0xb: {  	[smem:$0x3FAD] =	sst s3  }
0xc: {  	[smem:$0x3FAE] =	sst s4  }
0xd: {  	[smem:$0x3FAF] =	sst s5  }
0xe: {  	[smem:$0x3FB0] =	sst s6  }
0xf: {  	[smem:$0x3FB1] =	sst s7  }
0x10: {  	[smem:$0x3FB2] =	sst s8  }
0x11: {  	[smem:$0x3FB3] =	sst s9;
	s0 =	simm.s32 @!p0 $0x0  }
0x12: {  	s1 =	sld [smem:$0x3F99];
	s0 =	simm.s32 @p0 $0x1  }
0x13: {  	[smem:$0x3FB4] =	sst s0;
	s0 =	simm.s32 @!p1 $0x0  }
0x14: {  	s2 =	sld [smem:$0x3F98];
	s0 =	simm.s32 @p1 $0x1  }
0x15: {  	[smem:$0x3FB5] =	sst s0;
	s0 =	simm.s32 @!p2 $0x0  }
0x16: {  	s3 =	sld [smem:$0x3FDB];
	s0 =	simm.s32 @p2 $0x1  }
0x17: {  	s4 =	simm.s32 $0x1BF5;
	[smem:$0x3FB7] =	sst s0  }
0x18: {  	s0 =	sld [smem:$0x3F9A];
	_ =	swait.ge [sflag:s4], $0x0  }
0x19: {  	s7 =	sld [smem:$0x3F9B]  }
0x1a: {  	s8 =	sadd.s32 $0xFFFFE003, lr  }
0x1b: {  	s9 =	sadd.s32 $0xFFFFFEF7, lr;
	s5 =	simm.s32 $0xFFFFFFFF;
	p2 =	slt.u32 s8, $0xFFFFF086  }
0x1c: {  	p1 =	slt.u32 s9, $0xF7A;
	s5 =	simm.s32 @!p2 $0x0  }
0x1d: {  	s5 =	simm.s32 @p1 $0x1;
	p0 =	seq.s32 s7, s2  }
0x1e: {  	s7 =	smul.u32 @!p0 $0xF7A, s2;
	p2 =	seq.s32 @!p0 s5, $0x0  }
0x1f: {  	s9 =	smul.u32 $0xF7A, s1;
	s8 =	simm.s32 @!p0 $0x1BF5;
	p2 =	por !p2, p0  }
0x20: {  	[sflag:s8] =	ssyncset.s32 @!p0 $0xFFFFF086;
	s6 =	sadd.s32 @!p0 s3, s7;
	s7 =	simm.s32 @!p0 $0x108  }
0x21: {  	s3 =	sadd.s32 s3, s9;
	s6 =	sadd.s32 @!p0 $0x88, s6;
	s7 =	simm.s32 @p2 $0x1082  }
0x22: {  	[simem:s7], [sflag:s8] =	dma.local @!p0 [hbm:s6], $0xF7A  }
0x23: {  	s9 =	sor.u32 $0xD0000000, s2;
	s6 =	simm.s32 $0x108;
	_ =	swait.ge @!p0 [sflag:s8], $0x0  }
0x24: {  	s3 =	sadd.s32 $0x88, s3;
	s6 =	simm.s32 @!p1 $0x1082;
	[sflag:s4] =	ssyncset.s32 $0xFFFFF086  }
0x25: {  	[simem:s6], [sflag:s4] =	dma.local [hbm:s3], $0xF7A  }
0x26: {  	[smem:$0x3F9B] =	sst s1;
	(tag) =	ssettag s2;
	_ =	strace s9  }
0x27: {  	s1 =	sld [smem:$0x3FAB]  }
0x28: {  	s2 =	sld [smem:$0x3FAC]  }
0x29: {  	s4 =	sld [smem:$0x3FAE]  }
0x2a: {  	p0 =	seq.s32 s5, $0x0;
	s5 =	sld [smem:$0x3FAF]  }
0x2b: {  	s6 =	sld [smem:$0x3FB0]  }
0x2c: {  	s7 =	sld [smem:$0x3FB1]  }
0x2d: {  	s3 =	simm.s32 $0x108;
	s8 =	sld [smem:$0x3FB2]  }
0x2e: {  	s3 =	simm.s32 @!p0 $0x1082;
	s9 =	sld [smem:$0x3FB3]  }
0x2f: {  	lr =	sadd.s32 s0, s3;
	s0 =	sld [smem:$0x3FAA]  }
0x30: {  	s3 =	sld [smem:$0x3FAD]  }
0x31: {  	[smem:$0x3FB6] =	sst s10  }
0x32: {  	s10 =	sld [smem:$0x3FB4];
	_ =	sdelay $0x3  }
0x33: {  	p0 =	seq.s32 s10, $0x1;
	s10 =	sld [smem:$0x3FB6];
	_ =	sdelay $0x3  }
0x34: {  	[smem:$0x3FB6] =	sst s10  }
0x35: {  	s10 =	sld [smem:$0x3FB5];
	_ =	sdelay $0x3  }
0x36: {  	p1 =	seq.s32 s10, $0x1;
	s10 =	sld [smem:$0x3FB6];
	_ =	sdelay $0x3  }
0x37: {  	[smem:$0x3FB6] =	sst s10  }
0x38: {  	s10 =	sld [smem:$0x3FB7]  }
0x39: {  	_ = 	snop;
	(pc) =	sbr.ind lr, $3  }
0x3a: {  	_ = 	snop  }
0x3b: {  	_ = 	snop  }
0x3c: {  	p2 =	seq.s32 s10, $0x1;
	s10 =	sld [smem:$0x3FB6]  }
0x3d: {  	_ =	shalt  }
0x3e: {  	_ =	shalt  }
0x3f: {  	_ =	shalt  }
0x40: {  	_ =	shalt  }
0x41: {  	_ =	shalt  }
0x42: {  	_ =	shalt  }
0x43: {  	_ =	shalt  }
0x44: {  	_ =	shalt  }
0x45: {  	_ =	shalt  }
0x46: {  	_ =	shalt  }
0x47: {  	_ =	shalt  }
0x48: {  	_ =	shalt  }
0x49: {  	_ =	shalt  }
0x4a: {  	_ =	shalt  }
0x4b: {  	_ =	shalt  }
0x4c: {  	_ =	shalt  }
0x4d: {  	_ =	shalt  }
0x4e: {  	_ =	shalt  }
0x4f: {  	_ =	shalt  }
0x50: {  	_ =	shalt  }
0x51: {  	_ =	shalt  }
0x52: {  	_ =	shalt  }
0x53: {  	_ =	shalt  }
0x54: {  	_ =	shalt  }
0x55: {  	_ =	shalt  }
0x56: {  	_ =	shalt  }
0x57: {  	_ =	shalt  }
0x58: {  	_ =	shalt  }
0x59: {  	_ =	shalt  }
0x5a: {  	_ =	shalt  }
0x5b: {  	_ =	shalt  }
0x5c: {  	_ =	shalt  }
0x5d: {  	_ =	shalt  }
0x5e: {  	_ =	shalt  }
0x5f: {  	_ =	shalt  }
0x60: {  	_ =	shalt  }
0x61: {  	_ =	shalt  }
0x62: {  	_ =	shalt  }
0x63: {  	_ =	shalt  }
0x64: {  	_ =	shalt  }
0x65: {  	_ =	shalt  }
0x66: {  	_ =	shalt  }
0x67: {  	_ =	shalt  }
0x68: {  	_ =	shalt  }
0x69: {  	_ =	shalt  }
0x6a: {  	_ =	shalt  }
0x6b: {  	_ =	shalt  }
0x6c: {  	_ =	shalt  }
0x6d: {  	_ =	shalt  }
0x6e: {  	_ =	shalt  }
0x6f: {  	_ =	shalt  }
0x70: {  	_ =	shalt  }
0x71: {  	_ =	shalt  }
0x72: {  	_ =	shalt  }
0x73: {  	_ =	shalt  }
0x74: {  	_ =	shalt  }
0x75: {  	_ =	shalt  }
0x76: {  	_ =	shalt  }
0x77: {  	_ =	shalt  }
0x78: {  	_ =	shalt  }
0x79: {  	_ =	shalt  }
0x7a: {  	_ =	shalt  }
0x7b: {  	_ =	shalt  }
0x7c: {  	_ =	shalt  }
0x7d: {  	_ =	shalt  }
0x7e: {  	_ =	shalt  }
0x7f: {  	_ =	shalt  }
0x80: {  	_ =	shalt  }
0x81: {  	_ =	shalt  }
0x82: {  	_ =	shalt  }
0x83: {  	_ =	shalt  }
0x84: {  	_ =	shalt  }
0x85: {  	_ =	shalt  }
0x86: {  	_ =	shalt  }
0x87: {  	_ =	shalt  }
.Lfunc_end0:
.L_simem_size_0:
called_computation.1_lowered:
.L_overlay_start_0:
0x88: {  	s2 =	sld [smem:$0x3FD9]  }
0x89: {  	s3 =	sld [smem:$0x3FFE];
	_ =	sdelay $0x1  }
0x8a: {  	s1 =	srdreg.scid  }
0x8b: {  	s0 =	sand.u32 $0x1, s1  }
0x8c: {  	s16 =	sshll.u32 s0, $0xA;
	s2 =	sadd.s32 s3, s2  }
0x8d: {  	s2 =	sadd.s32 s2, s16  }
0x8e: {  	[smem:$0x3FC2] =	sst s2  }
0x8f: {  	_ = 	snop  }
0x90: {  	(tm) =	ssettm $0x1  }
0x91: {  	s17 =	sld [smem:$0x3FFB];
	_ =	sdelay $0x3  }
0x92: {  	_ =	strace s17  }
0x93: {  	s2 =	sld [smem:$0x3FFC];
	_ =	sdelay $0x3  }
0x94: {  	_ =	strace s2  }
0x95: {  	s2 =	sld [smem:$0x3FFD];
	_ =	sdelay $0x3  }
0x96: {  	_ =	strace s2  }
0x97: {  	_ =	strace $0x8FFFFFFF  }
0x98: {  	s18 =	sld [smem:$0x3FDB];
	_ =	sdelay $0x1  }
0x99: {  	s19 =	simm.s32 $_scs_section_size  }
0x9a: {  	s4 =	simm.s32 $_size__tile_overlayer_lowered;
	s5 =	simm.s32 $_tile_overlayer_lowered  }
0x9b: {  	s22 =	simm.s32 $0x1BFF;
	s21 =	sshll.u32 s5, $0x1;
	s2 =	sadd.s32 s19, s18  }
0x9c: {  	s6 =	simm.s32 $0x0;
	s20 =	sshll.u32 s4, $0x1;
	s4 =	sadd.s32 s21, s2  }
0x9d: {  	[timem:s6], [sflag:s22] =	dma.local [hbm:s4], s20  }
0x9e: {  	_ =	swait.ge [sflag:s22], s20  }
0x9f: {  	s3 =	ssub.s32 $0x0, s20;
	[sflag:s22] =	ssyncset.done $0x0  }
0xa0: {  	[sflag:s22] =	ssyncadd.s32 s3;
	_ =	sdelay $0x1  }
0xa1: {  	s23 =	simm.s32 $0x1B8B  }
0xa2: {  	_ =	swait.ge [sflag:s23], $0x1  }
0xa3: {  	[sflag:s23] =	ssyncset.done $0x0  }
0xa4: {  	s25 =	simm.s32 $0x1B8E;
	s24 =	sld [smem:$0x3FFE];
	[sflag:s23] =	ssyncadd.s32 $0xFFFFFFFF  }
0xa5: {  	s26 =	simm.s32 $execute0_lowered;
	[smem:$0x3FD2] =	sst s25  }
0xa6: {  	s4 =	sshll.u32 s26, $0x1;
	_ =	strace $0x80000049;
	[dreg:$0x1] =	wrdreg $0xFFFFFFFF  }
0xa7: {  	s28 =	simm.s32 $_size_execute0_lowered;
	s2 =	sadd.s32 s2, s4;
	[dreg:$0x0] =	wrdreg $0x0  }
0xa8: {  	s4 =	sshll.u32 s28, $0x1;
	[dreg:$0x2] =	wrdreg s2  }
0xa9: {  	[dreg:$0x3] =	wrdreg s4  }
0xaa: {  	[dreg:$0x4] =	wrdreg $0xC0  }
0xab: {  	_ =	task [dreg:s6], $0x5FFFF  }
0xac: {  	[dreg:$0x1] =	wrdreg $0xFFFFFFFF  }
0xad: {  	[dreg:$0x0] =	wrdreg $0x60  }
0xae: {  	[dreg:$0x2] =	wrdreg s24  }
0xaf: {  	[dreg:$0x3] =	wrdreg $0x90800  }
0xb0: {  	[dreg:$0x4] =	wrdreg $0x12CC00  }
0xb1: {  	[dreg:$0x5] =	wrdreg $0x9  }
0xb2: {  	_ =	task.clear_ibuf [dreg:s6], $0x6FFFF;
	_ =	strace $0x90000049  }
0xb3: {  	s29 =	simm.s32 $0x9;
	_ =	strace $0x8000004B  }
0xb4: {  	_ =	swait.ge [sflag:s29], $0x1  }
0xb5: {  	[sflag:s29] =	ssyncadd.s32 $0xFFFFFFFF  }
0xb6: {  	_ =	strace $0x9000004B  }
0xb7: {  	_ =	sfence  }
0xb8: {  	s30 =	sld [smem:$0x0];
	_ =	sdelay $0x2  }
0xb9: {  	s31 =	sshll.u32 s1, $0xD;
	s1 =	sshrl.u32 s1, $0x2  }
0xba: {  	s3 =	sand.u32 $0x4000, s31;
	s1 =	sadd.s32 s1, s30  }
0xbb: {  	s0 =	sor.u32 s3, s0;
	s1 =	sshll.u32 s1, $0x11  }
0xbc: {  	s0 =	sor.u32 s1, s0  }
0xbd: {  	s0 =	sadd.s32 $0x8F2B, s0  }
0xbe: {  	[sflag:s0] =	ssyncadd.remote.s32 $0x1  }
0xbf: {  	_ =	sfence.sel $0xFFFF  }
0xc0: {  	[dreg:$0x0] =	wrdreg $0xFFFFFFFF;
	(pc) =	sbr.abs _section_cstart, $3  }
0xc1: {  	[dreg:$0x1] =	wrdreg $0xFFFFFFFF  }
0xc2: {  	_ =	task.clear_ibuf [dreg:s6], $0x2FFFF;
	_ =	strace $0x9FFFFFFF  }
0xc3: {  	(tm) =	ssettm $0x7FFFFFFF  }
tec
execute0_lowered:
.L_overlay_start_1:
0x0: {  	(tag) =	ssettag $0x1  }
0x1: {  	s5 =	rddreg [dreg:$0x0]  }
0x2: {  	s0 =	stileid.u32;
	s2 =	rddreg [dreg:$0x1]  }
0x3: {  	s1 =	srdreg.scid;
	s3 =	rddreg [dreg:$0x2]  }
0x4: {  	s4 =	simm.s32 $0x0;
	s16 =	simm.s32 $0x80;
	s17 =	simm.s32 $0x5080  }
0x5: {  	s18 =	simm.s32 $0x7080;
	s19 =	simm.s32 $0x1;
	s20 =	simm.s32 $0x2  }
0x6: {  	s21 =	simm.s32 $0x0;
	s6 =	sand.u32 $0x1, s1;
	s7 =	smul.u32 $0x9C40, s0  }
0x7: {  	s29 =	sshll.u32 s0, $0x1;
	s9 =	smul.u32 $0x9E00, s0;
	[smem:$0x7FF] =	sst s4  }
0x8: {  	s31 =	sshll.u32 s0, $0x6;
	s1 =	sor.u32 s6, s29;
	s10 =	smul.u32 $0x9E000, s6  }
0x9: {  	s6 =	ssub.s32 $0x2, s6;
	s8 =	smul.u32 $0x500, s1;
	s1 =	rddreg [dreg:$0x3]  }
0xa: {  	_ =	strace $0x8000004A;
	s11 =	sshrl.u32 s7, $0x3;
	s12 =	sshrl.u32 s9, $0x3  }
0xb: {  	s30 =	sshrl.u32 s6, $0x1;
	s14 =	sadd.s32 s7, s2;
	s15 =	sadd.s32 s9, s3  }
0xc: {  	s11 =	sadd.s32 s11, s5;
	s10 =	sadd.s32 s9, s10;
	s12 =	sadd.s32 s12, s5  }
0xd: {  	s13 =	ssub.s32 s6, s30;
	s14 =	sshrl.u32 s14, $0x3;
	s15 =	sshrl.u32 s15, $0x3  }
0xe: {  	s8 =	sadd.s32 s8, s5;
	s10 =	sshrl.u32 s10, $0x3;
	s7 =	sadd.s32 $0x1CE00, s11  }
0xf: {  	s11 =	simm.s32 $0x3;
	s10 =	sadd.s32 s10, s5;
	s5 =	sadd.s32 $0x12E00, s8  }
0x10: {  	s6 =	sadd.s32 $0x1600, s8;
	s8 =	sadd.s32 $0x30800, s12;
	s12 =	simm.s32 $0x2880  }
0x11: {  	v0 =	vimm.s32 $0x0;
	s9 =	sadd.s32 $0x44400, s10;
	s10 =	smax.u32 s13, $0x1;
	s13 =	sor.u32 $0x1C03, s31  }
.LBB2_1:
0x12: {  	[tilespmem:s4], [sflag:$0x3] =	stream.linear.gather [hbm4b:s5+s4], $0x2800, $0x38;
	[tilespmem:$0x1CAC0] =	vst v63  }
0x13: {  	_ =	swait.ge [sflag:s11], $0x2800  }
0x14: {  	[sflag:s11] =	ssyncset.done $0x0  }
0x15: {  	[sflag:s11] =	ssyncadd.s32 $0xFFFFD800  }
0x16: {  	[tilespmem:s12], [sflag:$0x3] =	stream.linear.gather [hbm4b:s6+s4], $0x2800, $0x38;
	[tilespmem:$0x1CAC0] =	vst v63  }
0x17: {  	_ =	swait.ge [sflag:s11], $0x2800  }
0x18: {  	[sflag:s11] =	ssyncset.done $0x0  }
0x19: {  	[sflag:s11] =	ssyncadd.s32 $0xFFFFD800  }
0x1a: {  	[tilespmem:$0x2800] =	vst v0  }
0x1b: {  	[tilespmem:$0x2810] =	vst v0  }
0x1c: {  	[tilespmem:$0x2820] =	vst v0  }
0x1d: {  	[tilespmem:$0x2830] =	vst v0  }
0x1e: {  	[tilespmem:$0x2840] =	vst v0  }
0x1f: {  	[tilespmem:$0x2850] =	vst v0  }
0x20: {  	[tilespmem:$0x2860] =	vst v0  }
0x21: {  	[tilespmem:$0x2870] =	vst v0  }
0x22: {  	[spmem:s14], [sflag:s13] =	dma.local [hbm:s7], $0x1388  }
0x23: {  	_ =	swait.ge [sflag:s11], $0x1388  }
0x24: {  	[sflag:s11] =	ssyncset.done $0x0  }
0x25: {  	[sflag:s11] =	ssyncadd.s32 $0xFFFFEC78  }
0x26: {  	[spmem:s15], [sflag:s13] =	dma.local [hbm:s8], $0x13C0  }
0x27: {  	_ =	swait.ge [sflag:s11], $0x13C0  }
0x28: {  	[sflag:s11] =	ssyncset.done $0x0  }
0x29: {  	[sflag:s11] =	ssyncadd.s32 $0xFFFFEC40  }
0x2a: {  	[bflag:$0x0] =	sbarrier.arrive $0xFFFF  }
0x2b: {  	[tilespmem:s17], [sflag:$0x1] =	stream.indirect.gather [spmem:s2], $0x40, s4, s16, $0xb8;
	[tilespmem:$0x1CAC0] =	vst v63  }
0x2c: {  	s22 =	simm.s32 $0x80  }
0x2d: {  	[tilespmem:s18], [sflag:$0x2] =	stream.indirect.gather [spmem:s2], $0x40, s22, s16, $0xb8;
	[tilespmem:$0x1CAC0] =	vst v63  }
0x2e: {  	_ =	swait.ge [sflag:s19], $0x2000  }
0x2f: {  	[sflag:s19] =	ssyncset.done $0x0  }
0x30: {  	s29 =	simm.s32 $0x2880;
	[sflag:s19] =	ssyncadd.s32 $0xFFFFE000  }
0x31: {  	[spmem:s3] =	stream.indirect.scatter.add.f32 [tilespmem:s17], [sflag:$0x3], $0x40, s29, s16, $0xb8;
	[tilespmem:$0x1CAC0] =	vst v63  }
0x32: {  	_ =	swait.ge [sflag:s11], $0x2000  }
0x33: {  	[sflag:s11] =	ssyncset.done $0x0  }
0x34: {  	s30 =	simm.s32 $0x100;
	[sflag:s11] =	ssyncadd.s32 $0xFFFFE000  }
0x35: {  	[tilespmem:s17], [sflag:$0x1] =	stream.indirect.gather [spmem:s2], $0x40, s30, s16, $0xb8;
	[tilespmem:$0x1CAC0] =	vst v63  }
0x36: {  	_ =	swait.ge [sflag:s20], $0x2000  }
0x37: {  	[sflag:s20] =	ssyncset.done $0x0  }
0x38: {  	s31 =	simm.s32 $0x2900;
	[sflag:s20] =	ssyncadd.s32 $0xFFFFE000  }
0x39: {  	[spmem:s3] =	stream.indirect.scatter.add.f32 [tilespmem:s18], [sflag:$0x3], $0x40, s31, s16, $0xb8;
	[tilespmem:$0x1CAC0] =	vst v63  }
0x3a: {  	_ =	swait.ge [sflag:s11], $0x2000  }
0x3b: {  	s23 =	simm.s32 $0x800;
	s22 =	simm.s32 $0x100;
	[sflag:s11] =	ssyncset.done $0x0  }
.LBB2_2:
0x3c: {  	s24 =	sadd.s32 $0x80, s22  }
0x3d: {  	[sflag:s11] =	ssyncadd.s32 $0xFFFFE000;
	s25 =	smov.u32 s23;
	s26 =	sadd.s32 $0x400, s23  }
0x3e: {  	[tilespmem:s18], [sflag:$0x2] =	stream.indirect.gather [spmem:s2], $0x40, s24, s16, $0xb8;
	[tilespmem:$0x1CAC0] =	vst v63  }
0x3f: {  	p0 =	sne.s32 s23, $0x9C00;
	_ =	swait.ge [sflag:s19], $0x2000  }
0x40: {  	[sflag:s19] =	ssyncset.done $0x0  }
0x41: {  	s23 =	sadd.s32 $0x2880, s22;
	[sflag:s19] =	ssyncadd.s32 $0xFFFFE000  }
0x42: {  	[spmem:s3] =	stream.indirect.scatter.add.f32 [tilespmem:s17], [sflag:$0x3], $0x40, s23, s16, $0xb8;
	[tilespmem:$0x1CAC0] =	vst v63  }
0x43: {  	_ =	swait.ge [sflag:s11], $0x2000  }
0x44: {  	[sflag:s11] =	ssyncset.done $0x0  }
0x45: {  	s23 =	sadd.s32 $0x100, s22;
	[sflag:s11] =	ssyncadd.s32 $0xFFFFE000  }
0x46: {  	[tilespmem:s17], [sflag:$0x1] =	stream.indirect.gather [spmem:s2], $0x40, s23, s16, $0xb8;
	[tilespmem:$0x1CAC0] =	vst v63  }
0x47: {  	_ =	swait.ge [sflag:s20], $0x2000  }
.Ltmp0:
0x48: {  	[sflag:s20] =	ssyncset.done $0x0;
	(pc) =	sbr.rel @p0 .LBB2_2-.Ltmp0, $4  }
0x49: {  	s22 =	sadd.s32 $0x2900, s22;
	[sflag:s20] =	ssyncadd.s32 $0xFFFFE000  }
0x4a: {  	[spmem:s3] =	stream.indirect.scatter.add.f32 [tilespmem:s18], [sflag:$0x3], $0x40, s22, s16, $0xb8;
	[tilespmem:$0x1CAC0] =	vst v63  }
0x4b: {  	_ =	swait.ge [sflag:s11], $0x2000  }
0x4c: {  	s23 =	smov.u32 s26;
	s22 =	sshra.s32 s25, $0x2;
	[sflag:s11] =	ssyncset.done $0x0  }
0x4d: {  	s23 =	sadd.s32 $0x80, s22;
	[sflag:s11] =	ssyncadd.s32 $0xFFFFE000  }
0x4e: {  	[tilespmem:s18], [sflag:$0x2] =	stream.indirect.gather [spmem:s2], $0x40, s23, s16, $0xb8;
	[tilespmem:$0x1CAC0] =	vst v63  }
0x4f: {  	_ =	swait.ge [sflag:s19], $0x2000  }
0x50: {  	[sflag:s19] =	ssyncset.done $0x0  }
0x51: {  	s29 =	sadd.s32 $0x2880, s22;
	[sflag:s19] =	ssyncadd.s32 $0xFFFFE000  }
0x52: {  	[spmem:s3] =	stream.indirect.scatter.add.f32 [tilespmem:s17], [sflag:$0x3], $0x40, s29, s16, $0xb8;
	[tilespmem:$0x1CAC0] =	vst v63  }
0x53: {  	_ =	swait.ge [sflag:s11], $0x2000  }
0x54: {  	[sflag:s11] =	ssyncset.done $0x0  }
0x55: {  	s30 =	sadd.s32 $0x100, s22;
	[sflag:s11] =	ssyncadd.s32 $0xFFFFE000  }
0x56: {  	[tilespmem:s17], [sflag:$0x1] =	stream.indirect.gather [spmem:s2], $0x40, s30, s16, $0xb8;
	[tilespmem:$0x1CAC0] =	vst v63  }
0x57: {  	_ =	swait.ge [sflag:s20], $0x2000  }
0x58: {  	[sflag:s20] =	ssyncset.done $0x0  }
0x59: {  	s31 =	sadd.s32 $0x2900, s22;
	[sflag:s20] =	ssyncadd.s32 $0xFFFFE000  }
0x5a: {  	[spmem:s3] =	stream.indirect.scatter.add.f32 [tilespmem:s18], [sflag:$0x3], $0x40, s31, s16, $0xb8;
	[tilespmem:$0x1CAC0] =	vst v63  }
0x5b: {  	_ =	swait.ge [sflag:s11], $0x2000  }
0x5c: {  	[sflag:s11] =	ssyncset.done $0x0  }
0x5d: {  	[sflag:s11] =	ssyncadd.s32 $0xFFFFE000  }
0x5e: {  	_ =	swait.ge [sflag:s19], $0x2000  }
0x5f: {  	s21 =	sadd.s32 $0x1, s21;
	[sflag:s19] =	ssyncset.done $0x0  }
0x60: {  	p0 =	sne.s32 s21, s10;
	[sflag:s19] =	ssyncadd.s32 $0xFFFFE000  }
.Ltmp1:
0x61: {  	[bflag:$0x0] =	sbarrier.arrive $0xFFFF;
	(pc) =	sbr.rel @p0 .LBB2_1-.Ltmp1, $4  }
0x62: {  	[hbm:s9], [sflag:s13] =	dma.local [spmem:s15], $0x13C0  }
0x63: {  	_ =	swait.ge [sflag:s11], $0x13C0  }
0x64: {  	[sflag:s11] =	ssyncset.done $0x0  }
0x65: {  	[sflag:s11] =	ssyncadd.s32 $0xFFFFEC40  }
0x66: {  	_ =	sfence.sel $0x180000  }
0x67: {  	[bflag:$0x0] =	sbarrier.arrive $0xFFFF  }
0x68: {  	p0 =	sne.s32 s0, $0x0;
	_ =	strace $0x9000004A  }
0x69: {  	s0 =	sadd.s32 @!p0 $0x100000, s1;
	[bflag:$0x2] =	sbarrier.arrive $0xFFFF  }
0x6a: {  	[sflag:s0] =	ssyncadd.tile.s32 @!p0 $0x1;
	_ =	shalt  }
.Lfunc_end2:
_tile_overlayer_lowered:
.L_overlay_start_2:
0x6b: {  	(tag) =	ssettag $0x2  }
0x6c: {  	s0 =	rddreg [dreg:$0x0];
	s2 =	stileid.u32  }
0x6d: {  	s1 =	rddreg [dreg:$0x1];
	p0 =	sne.s32 s2, $0x0  }
0x6e: {  	s3 =	rddreg [dreg:$0x2];
	[bflag:$0x3] =	sbarrier.arrive $0xFFFF;
	s2 =	simm.s32 @!p0 $0x1C03  }
0x6f: {  	[timem:s3], [sflag:s2] =	dma.local @!p0 [hbm:s0], s1  }
0x70: {  	s0 =	simm.s32 @!p0 $0x3  }
0x71: {  	_ =	swait.ge @!p0 [sflag:s0], s1  }
0x72: {  	s1 =	ssub.s32 @!p0 $0x0, s1;
	[sflag:s0] =	ssyncset.done @!p0 $0x0  }
0x73: {  	[sflag:s0] =	ssyncadd.s32 @!p0 s1  }
0x74: {  	[bflag:$0x3] =	sbarrier.arrive $0xFFFF  }
0x75: {  	_ =	shalt  }

// kernel: kernel.14.cloned.1.call-start
scs
__scs_entry_jumppad:
0x0: {  	(pc) =	sbr.rel $0x88, $3  }
0x1: {  	(tag) =	ssettag $0x0;
	lr =	simm.s32 $0x1  }
0x2: {  	[smem:$0x3F9B] =	sst lr;
	_ =	strace $0xD0000000  }
0x3: {  	_ = 	snop  }
0x4: {  	_ = 	snop  }
0x5: {  	_ = 	snop  }
0x6: {  	_ = 	snop  }
0x7: {  	_ = 	snop  }
__scs_overlays_trampoline_lowered:
0x8: {  	[smem:$0x3FAA] =	sst s0  }
0x9: {  	[smem:$0x3FAB] =	sst s1  }
0xa: {  	[smem:$0x3FAC] =	sst s2  }
0xb: {  	[smem:$0x3FAD] =	sst s3  }
0xc: {  	[smem:$0x3FAE] =	sst s4  }
0xd: {  	[smem:$0x3FAF] =	sst s5  }
0xe: {  	[smem:$0x3FB0] =	sst s6  }
0xf: {  	[smem:$0x3FB1] =	sst s7  }
0x10: {  	[smem:$0x3FB2] =	sst s8  }
0x11: {  	[smem:$0x3FB3] =	sst s9;
	s0 =	simm.s32 @!p0 $0x0  }
0x12: {  	s1 =	sld [smem:$0x3F99];
	s0 =	simm.s32 @p0 $0x1  }
0x13: {  	[smem:$0x3FB4] =	sst s0;
	s0 =	simm.s32 @!p1 $0x0  }
0x14: {  	s2 =	sld [smem:$0x3F98];
	s0 =	simm.s32 @p1 $0x1  }
0x15: {  	[smem:$0x3FB5] =	sst s0;
	s0 =	simm.s32 @!p2 $0x0  }
0x16: {  	s3 =	sld [smem:$0x3FDB];
	s0 =	simm.s32 @p2 $0x1  }
0x17: {  	s4 =	simm.s32 $0x1BF5;
	[smem:$0x3FB7] =	sst s0  }
0x18: {  	s0 =	sld [smem:$0x3F9A];
	_ =	swait.ge [sflag:s4], $0x0  }
0x19: {  	s7 =	sld [smem:$0x3F9B]  }
0x1a: {  	s8 =	sadd.s32 $0xFFFFE003, lr  }
0x1b: {  	s9 =	sadd.s32 $0xFFFFFEF7, lr;
	s5 =	simm.s32 $0xFFFFFFFF;
	p2 =	slt.u32 s8, $0xFFFFF086  }
0x1c: {  	p1 =	slt.u32 s9, $0xF7A;
	s5 =	simm.s32 @!p2 $0x0  }
0x1d: {  	s5 =	simm.s32 @p1 $0x1;
	p0 =	seq.s32 s7, s2  }
0x1e: {  	s7 =	smul.u32 @!p0 $0xF7A, s2;
	p2 =	seq.s32 @!p0 s5, $0x0  }
0x1f: {  	s9 =	smul.u32 $0xF7A, s1;
	s8 =	simm.s32 @!p0 $0x1BF5;
	p2 =	por !p2, p0  }
0x20: {  	[sflag:s8] =	ssyncset.s32 @!p0 $0xFFFFF086;
	s6 =	sadd.s32 @!p0 s3, s7;
	s7 =	simm.s32 @!p0 $0x108  }
0x21: {  	s3 =	sadd.s32 s3, s9;
	s6 =	sadd.s32 @!p0 $0x88, s6;
	s7 =	simm.s32 @p2 $0x1082  }
0x22: {  	[simem:s7], [sflag:s8] =	dma.local @!p0 [hbm:s6], $0xF7A  }
0x23: {  	s9 =	sor.u32 $0xD0000000, s2;
	s6 =	simm.s32 $0x108;
	_ =	swait.ge @!p0 [sflag:s8], $0x0  }
0x24: {  	s3 =	sadd.s32 $0x88, s3;
	s6 =	simm.s32 @!p1 $0x1082;
	[sflag:s4] =	ssyncset.s32 $0xFFFFF086  }
0x25: {  	[simem:s6], [sflag:s4] =	dma.local [hbm:s3], $0xF7A  }
0x26: {  	[smem:$0x3F9B] =	sst s1;
	(tag) =	ssettag s2;
	_ =	strace s9  }
0x27: {  	s1 =	sld [smem:$0x3FAB]  }
0x28: {  	s2 =	sld [smem:$0x3FAC]  }
0x29: {  	s4 =	sld [smem:$0x3FAE]  }
0x2a: {  	p0 =	seq.s32 s5, $0x0;
	s5 =	sld [smem:$0x3FAF]  }
0x2b: {  	s6 =	sld [smem:$0x3FB0]  }
0x2c: {  	s7 =	sld [smem:$0x3FB1]  }
0x2d: {  	s3 =	simm.s32 $0x108;
	s8 =	sld [smem:$0x3FB2]  }
0x2e: {  	s3 =	simm.s32 @!p0 $0x1082;
	s9 =	sld [smem:$0x3FB3]  }
0x2f: {  	lr =	sadd.s32 s0, s3;
	s0 =	sld [smem:$0x3FAA]  }
0x30: {  	s3 =	sld [smem:$0x3FAD]  }
0x31: {  	[smem:$0x3FB6] =	sst s10  }
0x32: {  	s10 =	sld [smem:$0x3FB4];
	_ =	sdelay $0x3  }
0x33: {  	p0 =	seq.s32 s10, $0x1;
	s10 =	sld [smem:$0x3FB6];
	_ =	sdelay $0x3  }
0x34: {  	[smem:$0x3FB6] =	sst s10  }
0x35: {  	s10 =	sld [smem:$0x3FB5];
	_ =	sdelay $0x3  }
0x36: {  	p1 =	seq.s32 s10, $0x1;
	s10 =	sld [smem:$0x3FB6];
	_ =	sdelay $0x3  }
0x37: {  	[smem:$0x3FB6] =	sst s10  }
0x38: {  	s10 =	sld [smem:$0x3FB7]  }
0x39: {  	_ = 	snop;
	(pc) =	sbr.ind lr, $3  }
0x3a: {  	_ = 	snop  }
0x3b: {  	_ = 	snop  }
0x3c: {  	p2 =	seq.s32 s10, $0x1;
	s10 =	sld [smem:$0x3FB6]  }
0x3d: {  	_ =	shalt  }
0x3e: {  	_ =	shalt  }
0x3f: {  	_ =	shalt  }
0x40: {  	_ =	shalt  }
0x41: {  	_ =	shalt  }
0x42: {  	_ =	shalt  }
0x43: {  	_ =	shalt  }
0x44: {  	_ =	shalt  }
0x45: {  	_ =	shalt  }
0x46: {  	_ =	shalt  }
0x47: {  	_ =	shalt  }
0x48: {  	_ =	shalt  }
0x49: {  	_ =	shalt  }
0x4a: {  	_ =	shalt  }
0x4b: {  	_ =	shalt  }
0x4c: {  	_ =	shalt  }
0x4d: {  	_ =	shalt  }
0x4e: {  	_ =	shalt  }
0x4f: {  	_ =	shalt  }
0x50: {  	_ =	shalt  }
0x51: {  	_ =	shalt  }
0x52: {  	_ =	shalt  }
0x53: {  	_ =	shalt  }
0x54: {  	_ =	shalt  }
0x55: {  	_ =	shalt  }
0x56: {  	_ =	shalt  }
0x57: {  	_ =	shalt  }
0x58: {  	_ =	shalt  }
0x59: {  	_ =	shalt  }
0x5a: {  	_ =	shalt  }
0x5b: {  	_ =	shalt  }
0x5c: {  	_ =	shalt  }
0x5d: {  	_ =	shalt  }
0x5e: {  	_ =	shalt  }
0x5f: {  	_ =	shalt  }
0x60: {  	_ =	shalt  }
0x61: {  	_ =	shalt  }
0x62: {  	_ =	shalt  }
0x63: {  	_ =	shalt  }
0x64: {  	_ =	shalt  }
0x65: {  	_ =	shalt  }
0x66: {  	_ =	shalt  }
0x67: {  	_ =	shalt  }
0x68: {  	_ =	shalt  }
0x69: {  	_ =	shalt  }
0x6a: {  	_ =	shalt  }
0x6b: {  	_ =	shalt  }
0x6c: {  	_ =	shalt  }
0x6d: {  	_ =	shalt  }
0x6e: {  	_ =	shalt  }
0x6f: {  	_ =	shalt  }
0x70: {  	_ =	shalt  }
0x71: {  	_ =	shalt  }
0x72: {  	_ =	shalt  }
0x73: {  	_ =	shalt  }
0x74: {  	_ =	shalt  }
0x75: {  	_ =	shalt  }
0x76: {  	_ =	shalt  }
0x77: {  	_ =	shalt  }
0x78: {  	_ =	shalt  }
0x79: {  	_ =	shalt  }
0x7a: {  	_ =	shalt  }
0x7b: {  	_ =	shalt  }
0x7c: {  	_ =	shalt  }
0x7d: {  	_ =	shalt  }
0x7e: {  	_ =	shalt  }
0x7f: {  	_ =	shalt  }
0x80: {  	_ =	shalt  }
0x81: {  	_ =	shalt  }
0x82: {  	_ =	shalt  }
0x83: {  	_ =	shalt  }
0x84: {  	_ =	shalt  }
0x85: {  	_ =	shalt  }
0x86: {  	_ =	shalt  }
0x87: {  	_ =	shalt  }
.Lfunc_end0:
.L_simem_size_0:
called_computation.2_lowered:
.L_overlay_start_0:
0x88: {  	s2 =	sld [smem:$0x3FD9]  }
0x89: {  	s3 =	sld [smem:$0x3FFE];
	_ =	sdelay $0x1  }
0x8a: {  	s1 =	srdreg.scid  }
0x8b: {  	s0 =	sand.u32 $0x1, s1  }
0x8c: {  	s16 =	sshll.u32 s0, $0xA;
	s2 =	sadd.s32 s3, s2  }
0x8d: {  	s2 =	sadd.s32 s2, s16  }
0x8e: {  	[smem:$0x3FC2] =	sst s2  }
0x8f: {  	_ = 	snop  }
0x90: {  	(tm) =	ssettm $0x1  }
0x91: {  	s17 =	sld [smem:$0x3FFB];
	_ =	sdelay $0x3  }
0x92: {  	_ =	strace s17  }
0x93: {  	s2 =	sld [smem:$0x3FFC];
	_ =	sdelay $0x3  }
0x94: {  	_ =	strace s2  }
0x95: {  	s2 =	sld [smem:$0x3FFD];
	_ =	sdelay $0x3  }
0x96: {  	_ =	strace s2  }
0x97: {  	_ =	strace $0x8FFFFFFF  }
0x98: {  	s18 =	sld [smem:$0x3FDB];
	_ =	sdelay $0x1  }
0x99: {  	s19 =	simm.s32 $_scs_section_size  }
0x9a: {  	s4 =	simm.s32 $_size__tile_overlayer_lowered;
	s5 =	simm.s32 $_tile_overlayer_lowered  }
0x9b: {  	s22 =	simm.s32 $0x1BFF;
	s21 =	sshll.u32 s5, $0x1;
	s2 =	sadd.s32 s19, s18  }
0x9c: {  	s6 =	simm.s32 $0x0;
	s20 =	sshll.u32 s4, $0x1;
	s4 =	sadd.s32 s21, s2  }
0x9d: {  	[timem:s6], [sflag:s22] =	dma.local [hbm:s4], s20  }
0x9e: {  	_ =	swait.ge [sflag:s22], s20  }
0x9f: {  	s3 =	ssub.s32 $0x0, s20;
	[sflag:s22] =	ssyncset.done $0x0  }
0xa0: {  	[sflag:s22] =	ssyncadd.s32 s3;
	_ =	sdelay $0x1  }
0xa1: {  	s23 =	simm.s32 $0x1B8B  }
0xa2: {  	_ =	swait.ge [sflag:s23], $0x1  }
0xa3: {  	[sflag:s23] =	ssyncset.done $0x0  }
0xa4: {  	s25 =	simm.s32 $0x1B8E;
	s24 =	sld [smem:$0x3FFE];
	[sflag:s23] =	ssyncadd.s32 $0xFFFFFFFF  }
0xa5: {  	s26 =	simm.s32 $execute0_lowered;
	[smem:$0x3FD2] =	sst s25  }
0xa6: {  	s4 =	sshll.u32 s26, $0x1;
	_ =	strace $0x8000004C;
	[dreg:$0x1] =	wrdreg $0xFFFFFFFF  }
0xa7: {  	s28 =	simm.s32 $_size_execute0_lowered;
	s2 =	sadd.s32 s2, s4;
	[dreg:$0x0] =	wrdreg $0x0  }
0xa8: {  	s4 =	sshll.u32 s28, $0x1;
	[dreg:$0x2] =	wrdreg s2  }
0xa9: {  	[dreg:$0x3] =	wrdreg s4  }
0xaa: {  	[dreg:$0x4] =	wrdreg $0xC0  }
0xab: {  	_ =	task [dreg:s6], $0x5FFFF  }
0xac: {  	[dreg:$0x1] =	wrdreg $0xFFFFFFFF  }
0xad: {  	[dreg:$0x0] =	wrdreg $0x60  }
0xae: {  	[dreg:$0x2] =	wrdreg s24  }
0xaf: {  	[dreg:$0x3] =	wrdreg $0x58800  }
0xb0: {  	[dreg:$0x4] =	wrdreg $0x6C080  }
0xb1: {  	[dreg:$0x5] =	wrdreg $0x9  }
0xb2: {  	_ =	task.clear_ibuf [dreg:s6], $0x6FFFF;
	_ =	strace $0x9000004C  }
0xb3: {  	s29 =	simm.s32 $0x9;
	_ =	strace $0x8000004E  }
0xb4: {  	_ =	swait.ge [sflag:s29], $0x1  }
0xb5: {  	[sflag:s29] =	ssyncadd.s32 $0xFFFFFFFF  }
0xb6: {  	_ =	strace $0x9000004E  }
0xb7: {  	_ =	sfence  }
0xb8: {  	s30 =	sld [smem:$0x0];
	_ =	sdelay $0x2  }
0xb9: {  	s31 =	sshll.u32 s1, $0xD;
	s1 =	sshrl.u32 s1, $0x2  }
0xba: {  	s3 =	sand.u32 $0x4000, s31;
	s1 =	sadd.s32 s1, s30  }
0xbb: {  	s0 =	sor.u32 s3, s0;
	s1 =	sshll.u32 s1, $0x11  }
0xbc: {  	s0 =	sor.u32 s1, s0  }
0xbd: {  	s0 =	sadd.s32 $0x8F2B, s0  }
0xbe: {  	[sflag:s0] =	ssyncadd.remote.s32 $0x1  }
0xbf: {  	_ =	sfence.sel $0xFFFF  }
0xc0: {  	[dreg:$0x0] =	wrdreg $0xFFFFFFFF;
	(pc) =	sbr.abs _section_cstart, $3  }
0xc1: {  	[dreg:$0x1] =	wrdreg $0xFFFFFFFF  }
0xc2: {  	_ =	task.clear_ibuf [dreg:s6], $0x2FFFF;
	_ =	strace $0x9FFFFFFF  }
0xc3: {  	(tm) =	ssettm $0x7FFFFFFF  }
tec
execute0_lowered:
.L_overlay_start_1:
0x0: {  	(tag) =	ssettag $0x1  }
0x1: {  	s5 =	rddreg [dreg:$0x0]  }
0x2: {  	s0 =	stileid.u32;
	s2 =	rddreg [dreg:$0x1]  }
0x3: {  	s1 =	srdreg.scid;
	s3 =	rddreg [dreg:$0x2]  }
0x4: {  	s4 =	simm.s32 $0x0;
	s16 =	simm.s32 $0x80;
	s17 =	simm.s32 $0x5080  }
0x5: {  	s18 =	simm.s32 $0x5480;
	s19 =	simm.s32 $0x1;
	s20 =	simm.s32 $0x2  }
0x6: {  	s21 =	simm.s32 $0x0;
	s6 =	sand.u32 $0x1, s1;
	s7 =	smul.u32 $0x1388, s0  }
0x7: {  	s29 =	sshll.u32 s0, $0x1;
	s9 =	smul.u32 $0x13C0, s0;
	[smem:$0x7FF] =	sst s4  }
0x8: {  	s31 =	sshll.u32 s0, $0x6;
	s1 =	sor.u32 s6, s29;
	s10 =	smul.u32 $0x13C00, s6  }
0x9: {  	s6 =	ssub.s32 $0x2, s6;
	s8 =	smul.u32 $0x500, s1;
	s1 =	rddreg [dreg:$0x3]  }
0xa: {  	_ =	strace $0x8000004D;
	s11 =	sshrl.u32 s7, $0x3;
	s12 =	sshrl.u32 s9, $0x3  }
0xb: {  	s30 =	sshrl.u32 s6, $0x1;
	s14 =	sadd.s32 s7, s2;
	s15 =	sadd.s32 s9, s3  }
0xc: {  	s11 =	sadd.s32 s11, s5;
	s10 =	sadd.s32 s9, s10;
	s12 =	sadd.s32 s12, s5  }
0xd: {  	s13 =	ssub.s32 s6, s30;
	s14 =	sshrl.u32 s14, $0x3;
	s15 =	sshrl.u32 s15, $0x3  }
0xe: {  	s8 =	sadd.s32 s8, s5;
	s10 =	sshrl.u32 s10, $0x3;
	s7 =	sadd.s32 $0xDE00, s11  }
0xf: {  	s11 =	simm.s32 $0x3;
	s10 =	sadd.s32 s10, s5;
	s5 =	sadd.s32 $0x12E00, s8  }
0x10: {  	s6 =	sadd.s32 $0x1600, s8;
	s8 =	sadd.s32 $0xB600, s12;
	s12 =	simm.s32 $0x2880  }
0x11: {  	v0 =	vimm.s32 $0x0;
	s9 =	sadd.s32 $0x1CE00, s10;
	s10 =	smax.u32 s13, $0x1;
	s13 =	sor.u32 $0x1C03, s31  }
.LBB2_1:
0x12: {  	[tilespmem:s4], [sflag:$0x3] =	stream.linear.gather [hbm4b:s5+s4], $0x2800, $0x38;
	[tilespmem:$0x7FC8] =	vst v63  }
0x13: {  	_ =	swait.ge [sflag:s11], $0x2800  }
0x14: {  	[sflag:s11] =	ssyncset.done $0x0  }
0x15: {  	[sflag:s11] =	ssyncadd.s32 $0xFFFFD800  }
0x16: {  	[tilespmem:s12], [sflag:$0x3] =	stream.linear.gather [hbm4b:s6+s4], $0x2800, $0x38;
	[tilespmem:$0x7FC8] =	vst v63  }
0x17: {  	_ =	swait.ge [sflag:s11], $0x2800  }
0x18: {  	[sflag:s11] =	ssyncset.done $0x0  }
0x19: {  	[sflag:s11] =	ssyncadd.s32 $0xFFFFD800  }
0x1a: {  	[tilespmem:$0x2800] =	vst v0  }
0x1b: {  	[tilespmem:$0x2810] =	vst v0  }
0x1c: {  	[tilespmem:$0x2820] =	vst v0  }
0x1d: {  	[tilespmem:$0x2830] =	vst v0  }
0x1e: {  	[tilespmem:$0x2840] =	vst v0  }
0x1f: {  	[tilespmem:$0x2850] =	vst v0  }
0x20: {  	[tilespmem:$0x2860] =	vst v0  }
0x21: {  	[tilespmem:$0x2870] =	vst v0  }
0x22: {  	[spmem:s14], [sflag:s13] =	dma.local [hbm:s7], $0x271  }
0x23: {  	_ =	swait.ge [sflag:s11], $0x271  }
0x24: {  	[sflag:s11] =	ssyncset.done $0x0  }
0x25: {  	[sflag:s11] =	ssyncadd.s32 $0xFFFFFD8F  }
0x26: {  	[spmem:s15], [sflag:s13] =	dma.local [hbm:s8], $0x278  }
0x27: {  	_ =	swait.ge [sflag:s11], $0x278  }
0x28: {  	[sflag:s11] =	ssyncset.done $0x0  }
0x29: {  	[sflag:s11] =	ssyncadd.s32 $0xFFFFFD88  }
0x2a: {  	[bflag:$0x0] =	sbarrier.arrive $0xFFFF  }
0x2b: {  	[tilespmem:s17], [sflag:$0x1] =	stream.indirect.gather [spmem:s2], $0x8, s4, s16, $0xb8;
	[tilespmem:$0x7FC8] =	vst v63  }
0x2c: {  	s22 =	simm.s32 $0x80  }
0x2d: {  	[tilespmem:s18], [sflag:$0x2] =	stream.indirect.gather [spmem:s2], $0x8, s22, s16, $0xb8;
	[tilespmem:$0x7FC8] =	vst v63  }
0x2e: {  	_ =	swait.ge [sflag:s19], $0x400  }
0x2f: {  	[sflag:s19] =	ssyncset.done $0x0  }
0x30: {  	s29 =	simm.s32 $0x2880;
	[sflag:s19] =	ssyncadd.s32 $0xFFFFFC00  }
0x31: {  	[spmem:s3] =	stream.indirect.scatter.add.f32 [tilespmem:s17], [sflag:$0x3], $0x8, s29, s16, $0xb8;
	[tilespmem:$0x7FC8] =	vst v63  }
0x32: {  	_ =	swait.ge [sflag:s11], $0x400  }
0x33: {  	[sflag:s11] =	ssyncset.done $0x0  }
0x34: {  	s30 =	simm.s32 $0x100;
	[sflag:s11] =	ssyncadd.s32 $0xFFFFFC00  }
0x35: {  	[tilespmem:s17], [sflag:$0x1] =	stream.indirect.gather [spmem:s2], $0x8, s30, s16, $0xb8;
	[tilespmem:$0x7FC8] =	vst v63  }
0x36: {  	_ =	swait.ge [sflag:s20], $0x400  }
0x37: {  	[sflag:s20] =	ssyncset.done $0x0  }
0x38: {  	s31 =	simm.s32 $0x2900;
	[sflag:s20] =	ssyncadd.s32 $0xFFFFFC00  }
0x39: {  	[spmem:s3] =	stream.indirect.scatter.add.f32 [tilespmem:s18], [sflag:$0x3], $0x8, s31, s16, $0xb8;
	[tilespmem:$0x7FC8] =	vst v63  }
0x3a: {  	_ =	swait.ge [sflag:s11], $0x400  }
0x3b: {  	s23 =	simm.s32 $0x800;
	s22 =	simm.s32 $0x100;
	[sflag:s11] =	ssyncset.done $0x0  }
.LBB2_2:
0x3c: {  	s24 =	sadd.s32 $0x80, s22  }
0x3d: {  	[sflag:s11] =	ssyncadd.s32 $0xFFFFFC00;
	s25 =	smov.u32 s23;
	s26 =	sadd.s32 $0x400, s23  }
0x3e: {  	[tilespmem:s18], [sflag:$0x2] =	stream.indirect.gather [spmem:s2], $0x8, s24, s16, $0xb8;
	[tilespmem:$0x7FC8] =	vst v63  }
0x3f: {  	p0 =	sne.s32 s23, $0x9C00;
	_ =	swait.ge [sflag:s19], $0x400  }
0x40: {  	[sflag:s19] =	ssyncset.done $0x0  }
0x41: {  	s23 =	sadd.s32 $0x2880, s22;
	[sflag:s19] =	ssyncadd.s32 $0xFFFFFC00  }
0x42: {  	[spmem:s3] =	stream.indirect.scatter.add.f32 [tilespmem:s17], [sflag:$0x3], $0x8, s23, s16, $0xb8;
	[tilespmem:$0x7FC8] =	vst v63  }
0x43: {  	_ =	swait.ge [sflag:s11], $0x400  }
0x44: {  	[sflag:s11] =	ssyncset.done $0x0  }
0x45: {  	s23 =	sadd.s32 $0x100, s22;
	[sflag:s11] =	ssyncadd.s32 $0xFFFFFC00  }
0x46: {  	[tilespmem:s17], [sflag:$0x1] =	stream.indirect.gather [spmem:s2], $0x8, s23, s16, $0xb8;
	[tilespmem:$0x7FC8] =	vst v63  }
0x47: {  	_ =	swait.ge [sflag:s20], $0x400  }
.Ltmp0:
0x48: {  	[sflag:s20] =	ssyncset.done $0x0;
	(pc) =	sbr.rel @p0 .LBB2_2-.Ltmp0, $4  }
0x49: {  	s22 =	sadd.s32 $0x2900, s22;
	[sflag:s20] =	ssyncadd.s32 $0xFFFFFC00  }
0x4a: {  	[spmem:s3] =	stream.indirect.scatter.add.f32 [tilespmem:s18], [sflag:$0x3], $0x8, s22, s16, $0xb8;
	[tilespmem:$0x7FC8] =	vst v63  }
0x4b: {  	_ =	swait.ge [sflag:s11], $0x400  }
0x4c: {  	s23 =	smov.u32 s26;
	s22 =	sshra.s32 s25, $0x2;
	[sflag:s11] =	ssyncset.done $0x0  }
0x4d: {  	s23 =	sadd.s32 $0x80, s22;
	[sflag:s11] =	ssyncadd.s32 $0xFFFFFC00  }
0x4e: {  	[tilespmem:s18], [sflag:$0x2] =	stream.indirect.gather [spmem:s2], $0x8, s23, s16, $0xb8;
	[tilespmem:$0x7FC8] =	vst v63  }
0x4f: {  	_ =	swait.ge [sflag:s19], $0x400  }
0x50: {  	[sflag:s19] =	ssyncset.done $0x0  }
0x51: {  	s29 =	sadd.s32 $0x2880, s22;
	[sflag:s19] =	ssyncadd.s32 $0xFFFFFC00  }
0x52: {  	[spmem:s3] =	stream.indirect.scatter.add.f32 [tilespmem:s17], [sflag:$0x3], $0x8, s29, s16, $0xb8;
	[tilespmem:$0x7FC8] =	vst v63  }
0x53: {  	_ =	swait.ge [sflag:s11], $0x400  }
0x54: {  	[sflag:s11] =	ssyncset.done $0x0  }
0x55: {  	s30 =	sadd.s32 $0x100, s22;
	[sflag:s11] =	ssyncadd.s32 $0xFFFFFC00  }
0x56: {  	[tilespmem:s17], [sflag:$0x1] =	stream.indirect.gather [spmem:s2], $0x8, s30, s16, $0xb8;
	[tilespmem:$0x7FC8] =	vst v63  }
0x57: {  	_ =	swait.ge [sflag:s20], $0x400  }
0x58: {  	[sflag:s20] =	ssyncset.done $0x0  }
0x59: {  	s31 =	sadd.s32 $0x2900, s22;
	[sflag:s20] =	ssyncadd.s32 $0xFFFFFC00  }
0x5a: {  	[spmem:s3] =	stream.indirect.scatter.add.f32 [tilespmem:s18], [sflag:$0x3], $0x8, s31, s16, $0xb8;
	[tilespmem:$0x7FC8] =	vst v63  }
0x5b: {  	_ =	swait.ge [sflag:s11], $0x400  }
0x5c: {  	[sflag:s11] =	ssyncset.done $0x0  }
0x5d: {  	[sflag:s11] =	ssyncadd.s32 $0xFFFFFC00  }
0x5e: {  	_ =	swait.ge [sflag:s19], $0x400  }
0x5f: {  	s21 =	sadd.s32 $0x1, s21;
	[sflag:s19] =	ssyncset.done $0x0  }
0x60: {  	p0 =	sne.s32 s21, s10;
	[sflag:s19] =	ssyncadd.s32 $0xFFFFFC00  }
.Ltmp1:
0x61: {  	[bflag:$0x0] =	sbarrier.arrive $0xFFFF;
	(pc) =	sbr.rel @p0 .LBB2_1-.Ltmp1, $4  }
0x62: {  	[hbm:s9], [sflag:s13] =	dma.local [spmem:s15], $0x278  }
0x63: {  	_ =	swait.ge [sflag:s11], $0x278  }
0x64: {  	[sflag:s11] =	ssyncset.done $0x0  }
0x65: {  	[sflag:s11] =	ssyncadd.s32 $0xFFFFFD88  }
0x66: {  	_ =	sfence.sel $0x180000  }
0x67: {  	[bflag:$0x0] =	sbarrier.arrive $0xFFFF  }
0x68: {  	p0 =	sne.s32 s0, $0x0;
	_ =	strace $0x9000004D  }
0x69: {  	s0 =	sadd.s32 @!p0 $0x100000, s1;
	[bflag:$0x2] =	sbarrier.arrive $0xFFFF  }
0x6a: {  	[sflag:s0] =	ssyncadd.tile.s32 @!p0 $0x1;
	_ =	shalt  }
.Lfunc_end2:
_tile_overlayer_lowered:
.L_overlay_start_2:
0x6b: {  	(tag) =	ssettag $0x2  }
0x6c: {  	s0 =	rddreg [dreg:$0x0];
	s2 =	stileid.u32  }
0x6d: {  	s1 =	rddreg [dreg:$0x1];
	p0 =	sne.s32 s2, $0x0  }
0x6e: {  	s3 =	rddreg [dreg:$0x2];
	[bflag:$0x3] =	sbarrier.arrive $0xFFFF;
	s2 =	simm.s32 @!p0 $0x1C03  }
0x6f: {  	[timem:s3], [sflag:s2] =	dma.local @!p0 [hbm:s0], s1  }
0x70: {  	s0 =	simm.s32 @!p0 $0x3  }
0x71: {  	_ =	swait.ge @!p0 [sflag:s0], s1  }
0x72: {  	s1 =	ssub.s32 @!p0 $0x0, s1;
	[sflag:s0] =	ssyncset.done @!p0 $0x0  }
0x73: {  	[sflag:s0] =	ssyncadd.s32 @!p0 s1  }
0x74: {  	[bflag:$0x3] =	sbarrier.arrive $0xFFFF  }
0x75: {  	_ =	shalt  }

// kernel: kernel.8.cloned.1.call-start
scs
__scs_entry_jumppad:
0x0: {  	(pc) =	sbr.rel $0x88, $3  }
0x1: {  	(tag) =	ssettag $0x0;
	lr =	simm.s32 $0x1  }
0x2: {  	[smem:$0x3F9B] =	sst lr;
	_ =	strace $0xD0000000  }
0x3: {  	_ = 	snop  }
0x4: {  	_ = 	snop  }
0x5: {  	_ = 	snop  }
0x6: {  	_ = 	snop  }
0x7: {  	_ = 	snop  }
__scs_overlays_trampoline_lowered:
0x8: {  	[smem:$0x3FAA] =	sst s0  }
0x9: {  	[smem:$0x3FAB] =	sst s1  }
0xa: {  	[smem:$0x3FAC] =	sst s2  }
0xb: {  	[smem:$0x3FAD] =	sst s3  }
0xc: {  	[smem:$0x3FAE] =	sst s4  }
0xd: {  	[smem:$0x3FAF] =	sst s5  }
0xe: {  	[smem:$0x3FB0] =	sst s6  }
0xf: {  	[smem:$0x3FB1] =	sst s7  }
0x10: {  	[smem:$0x3FB2] =	sst s8  }
0x11: {  	[smem:$0x3FB3] =	sst s9;
	s0 =	simm.s32 @!p0 $0x0  }
0x12: {  	s1 =	sld [smem:$0x3F99];
	s0 =	simm.s32 @p0 $0x1  }
0x13: {  	[smem:$0x3FB4] =	sst s0;
	s0 =	simm.s32 @!p1 $0x0  }
0x14: {  	s2 =	sld [smem:$0x3F98];
	s0 =	simm.s32 @p1 $0x1  }
0x15: {  	[smem:$0x3FB5] =	sst s0;
	s0 =	simm.s32 @!p2 $0x0  }
0x16: {  	s3 =	sld [smem:$0x3FDB];
	s0 =	simm.s32 @p2 $0x1  }
0x17: {  	s4 =	simm.s32 $0x1BF5;
	[smem:$0x3FB7] =	sst s0  }
0x18: {  	s0 =	sld [smem:$0x3F9A];
	_ =	swait.ge [sflag:s4], $0x0  }
0x19: {  	s7 =	sld [smem:$0x3F9B]  }
0x1a: {  	s8 =	sadd.s32 $0xFFFFE003, lr  }
0x1b: {  	s9 =	sadd.s32 $0xFFFFFEF7, lr;
	s5 =	simm.s32 $0xFFFFFFFF;
	p2 =	slt.u32 s8, $0xFFFFF086  }
0x1c: {  	p1 =	slt.u32 s9, $0xF7A;
	s5 =	simm.s32 @!p2 $0x0  }
0x1d: {  	s5 =	simm.s32 @p1 $0x1;
	p0 =	seq.s32 s7, s2  }
0x1e: {  	s7 =	smul.u32 @!p0 $0xF7A, s2;
	p2 =	seq.s32 @!p0 s5, $0x0  }
0x1f: {  	s9 =	smul.u32 $0xF7A, s1;
	s8 =	simm.s32 @!p0 $0x1BF5;
	p2 =	por !p2, p0  }
0x20: {  	[sflag:s8] =	ssyncset.s32 @!p0 $0xFFFFF086;
	s6 =	sadd.s32 @!p0 s3, s7;
	s7 =	simm.s32 @!p0 $0x108  }
0x21: {  	s3 =	sadd.s32 s3, s9;
	s6 =	sadd.s32 @!p0 $0x88, s6;
	s7 =	simm.s32 @p2 $0x1082  }
0x22: {  	[simem:s7], [sflag:s8] =	dma.local @!p0 [hbm:s6], $0xF7A  }
0x23: {  	s9 =	sor.u32 $0xD0000000, s2;
	s6 =	simm.s32 $0x108;
	_ =	swait.ge @!p0 [sflag:s8], $0x0  }
0x24: {  	s3 =	sadd.s32 $0x88, s3;
	s6 =	simm.s32 @!p1 $0x1082;
	[sflag:s4] =	ssyncset.s32 $0xFFFFF086  }
0x25: {  	[simem:s6], [sflag:s4] =	dma.local [hbm:s3], $0xF7A  }
0x26: {  	[smem:$0x3F9B] =	sst s1;
	(tag) =	ssettag s2;
	_ =	strace s9  }
0x27: {  	s1 =	sld [smem:$0x3FAB]  }
0x28: {  	s2 =	sld [smem:$0x3FAC]  }
0x29: {  	s4 =	sld [smem:$0x3FAE]  }
0x2a: {  	p0 =	seq.s32 s5, $0x0;
	s5 =	sld [smem:$0x3FAF]  }
0x2b: {  	s6 =	sld [smem:$0x3FB0]  }
0x2c: {  	s7 =	sld [smem:$0x3FB1]  }
0x2d: {  	s3 =	simm.s32 $0x108;
	s8 =	sld [smem:$0x3FB2]  }
0x2e: {  	s3 =	simm.s32 @!p0 $0x1082;
	s9 =	sld [smem:$0x3FB3]  }
0x2f: {  	lr =	sadd.s32 s0, s3;
	s0 =	sld [smem:$0x3FAA]  }
0x30: {  	s3 =	sld [smem:$0x3FAD]  }
0x31: {  	[smem:$0x3FB6] =	sst s10  }
0x32: {  	s10 =	sld [smem:$0x3FB4];
	_ =	sdelay $0x3  }
0x33: {  	p0 =	seq.s32 s10, $0x1;
	s10 =	sld [smem:$0x3FB6];
	_ =	sdelay $0x3  }
0x34: {  	[smem:$0x3FB6] =	sst s10  }
0x35: {  	s10 =	sld [smem:$0x3FB5];
	_ =	sdelay $0x3  }
0x36: {  	p1 =	seq.s32 s10, $0x1;
	s10 =	sld [smem:$0x3FB6];
	_ =	sdelay $0x3  }
0x37: {  	[smem:$0x3FB6] =	sst s10  }
0x38: {  	s10 =	sld [smem:$0x3FB7]  }
0x39: {  	_ = 	snop;
	(pc) =	sbr.ind lr, $3  }
0x3a: {  	_ = 	snop  }
0x3b: {  	_ = 	snop  }
0x3c: {  	p2 =	seq.s32 s10, $0x1;
	s10 =	sld [smem:$0x3FB6]  }
0x3d: {  	_ =	shalt  }
0x3e: {  	_ =	shalt  }
0x3f: {  	_ =	shalt  }
0x40: {  	_ =	shalt  }
0x41: {  	_ =	shalt  }
0x42: {  	_ =	shalt  }
0x43: {  	_ =	shalt  }
0x44: {  	_ =	shalt  }
0x45: {  	_ =	shalt  }
0x46: {  	_ =	shalt  }
0x47: {  	_ =	shalt  }
0x48: {  	_ =	shalt  }
0x49: {  	_ =	shalt  }
0x4a: {  	_ =	shalt  }
0x4b: {  	_ =	shalt  }
0x4c: {  	_ =	shalt  }
0x4d: {  	_ =	shalt  }
0x4e: {  	_ =	shalt  }
0x4f: {  	_ =	shalt  }
0x50: {  	_ =	shalt  }
0x51: {  	_ =	shalt  }
0x52: {  	_ =	shalt  }
0x53: {  	_ =	shalt  }
0x54: {  	_ =	shalt  }
0x55: {  	_ =	shalt  }
0x56: {  	_ =	shalt  }
0x57: {  	_ =	shalt  }
0x58: {  	_ =	shalt  }
0x59: {  	_ =	shalt  }
0x5a: {  	_ =	shalt  }
0x5b: {  	_ =	shalt  }
0x5c: {  	_ =	shalt  }
0x5d: {  	_ =	shalt  }
0x5e: {  	_ =	shalt  }
0x5f: {  	_ =	shalt  }
0x60: {  	_ =	shalt  }
0x61: {  	_ =	shalt  }
0x62: {  	_ =	shalt  }
0x63: {  	_ =	shalt  }
0x64: {  	_ =	shalt  }
0x65: {  	_ =	shalt  }
0x66: {  	_ =	shalt  }
0x67: {  	_ =	shalt  }
0x68: {  	_ =	shalt  }
0x69: {  	_ =	shalt  }
0x6a: {  	_ =	shalt  }
0x6b: {  	_ =	shalt  }
0x6c: {  	_ =	shalt  }
0x6d: {  	_ =	shalt  }
0x6e: {  	_ =	shalt  }
0x6f: {  	_ =	shalt  }
0x70: {  	_ =	shalt  }
0x71: {  	_ =	shalt  }
0x72: {  	_ =	shalt  }
0x73: {  	_ =	shalt  }
0x74: {  	_ =	shalt  }
0x75: {  	_ =	shalt  }
0x76: {  	_ =	shalt  }
0x77: {  	_ =	shalt  }
0x78: {  	_ =	shalt  }
0x79: {  	_ =	shalt  }
0x7a: {  	_ =	shalt  }
0x7b: {  	_ =	shalt  }
0x7c: {  	_ =	shalt  }
0x7d: {  	_ =	shalt  }
0x7e: {  	_ =	shalt  }
0x7f: {  	_ =	shalt  }
0x80: {  	_ =	shalt  }
0x81: {  	_ =	shalt  }
0x82: {  	_ =	shalt  }
0x83: {  	_ =	shalt  }
0x84: {  	_ =	shalt  }
0x85: {  	_ =	shalt  }
0x86: {  	_ =	shalt  }
0x87: {  	_ =	shalt  }
.Lfunc_end0:
.L_simem_size_0:
called_computation_lowered:
.L_overlay_start_0:
0x88: {  	s2 =	sld [smem:$0x3FD9]  }
0x89: {  	s3 =	sld [smem:$0x3FFE];
	_ =	sdelay $0x1  }
0x8a: {  	s1 =	srdreg.scid  }
0x8b: {  	s0 =	sand.u32 $0x1, s1  }
0x8c: {  	s17 =	sshll.u32 s0, $0xA;
	s2 =	sadd.s32 s3, s2  }
0x8d: {  	s2 =	sadd.s32 s2, s17  }
0x8e: {  	[smem:$0x3FC2] =	sst s2  }
0x8f: {  	_ = 	snop  }
0x90: {  	s2 =	sld [smem:$0x3FD0];
	(tm) =	ssettm $0x1  }
0x91: {  	s18 =	sld [smem:$0x3FFB];
	_ =	sdelay $0x3  }
0x92: {  	_ =	strace s18  }
0x93: {  	s3 =	sld [smem:$0x3FFC];
	_ =	sdelay $0x3  }
0x94: {  	_ =	strace s3  }
0x95: {  	s3 =	sld [smem:$0x3FFD];
	_ =	sdelay $0x3  }
0x96: {  	_ =	strace s3  }
0x97: {  	_ =	strace $0x8FFFFFFF  }
0x98: {  	s19 =	sld [smem:$0x3FDB];
	_ =	sdelay $0x1  }
0x99: {  	s4 =	simm.s32 $_scs_section_size  }
0x9a: {  	s5 =	simm.s32 $_size__tile_overlayer_lowered;
	s6 =	simm.s32 $_tile_overlayer_lowered  }
0x9b: {  	s22 =	simm.s32 $0x1BFF;
	s21 =	sshll.u32 s6, $0x1;
	s3 =	sadd.s32 s4, s19  }
0x9c: {  	s7 =	simm.s32 $0x0;
	s20 =	sshll.u32 s5, $0x1;
	s5 =	sadd.s32 s21, s3  }
0x9d: {  	[timem:s7], [sflag:s22] =	dma.local [hbm:s5], s20  }
0x9e: {  	_ =	swait.ge [sflag:s22], s20  }
0x9f: {  	s4 =	ssub.s32 $0x0, s20;
	[sflag:s22] =	ssyncset.done $0x0  }
0xa0: {  	[sflag:s22] =	ssyncadd.s32 s4;
	_ =	sdelay $0x1  }
0xa1: {  	s23 =	simm.s32 $0x1B8B  }
0xa2: {  	_ =	swait.ge [sflag:s23], $0x1  }
0xa3: {  	[sflag:s23] =	ssyncset.done $0x0  }
0xa4: {  	s25 =	simm.s32 $0x1B8E;
	s24 =	sld [smem:$0x3FFE];
	[sflag:s23] =	ssyncadd.s32 $0xFFFFFFFF  }
0xa5: {  	s26 =	simm.s32 $execute0_lowered;
	[smem:$0x3FD2] =	sst s25  }
0xa6: {  	s5 =	sshll.u32 s26, $0x1;
	_ =	strace $0x80000046;
	[dreg:$0x1] =	wrdreg $0xFFFFFFFF  }
0xa7: {  	s28 =	simm.s32 $_size_execute0_lowered;
	s3 =	sadd.s32 s3, s5;
	[dreg:$0x0] =	wrdreg $0x0  }
0xa8: {  	s5 =	sshll.u32 s28, $0x1;
	[dreg:$0x2] =	wrdreg s3  }
0xa9: {  	[dreg:$0x3] =	wrdreg s5  }
0xaa: {  	[dreg:$0x4] =	wrdreg $0xC0  }
0xab: {  	_ =	task [dreg:s7], $0x5FFFF  }
0xac: {  	[dreg:$0x1] =	wrdreg $0xFFFFFFFF  }
0xad: {  	[dreg:$0x0] =	wrdreg $0x60  }
0xae: {  	[dreg:$0x2] =	wrdreg s24  }
0xaf: {  	[dreg:$0x3] =	wrdreg s2  }
0xb0: {  	[dreg:$0x4] =	wrdreg $0x2C000  }
0xb1: {  	[dreg:$0x5] =	wrdreg $0x9  }
0xb2: {  	_ =	task.clear_ibuf [dreg:s7], $0x6FFFF;
	_ =	strace $0x90000046  }
0xb3: {  	s29 =	simm.s32 $0x9;
	_ =	strace $0x80000048  }
0xb4: {  	_ =	swait.ge [sflag:s29], $0x1  }
0xb5: {  	[sflag:s29] =	ssyncadd.s32 $0xFFFFFFFF  }
0xb6: {  	_ =	strace $0x90000048  }
0xb7: {  	_ =	sfence  }
0xb8: {  	s30 =	sld [smem:$0x0];
	_ =	sdelay $0x2  }
0xb9: {  	s31 =	sshll.u32 s1, $0xD;
	s1 =	sshrl.u32 s1, $0x2  }
0xba: {  	s3 =	sand.u32 $0x4000, s31;
	s1 =	sadd.s32 s1, s30  }
0xbb: {  	s0 =	sor.u32 s3, s0;
	s1 =	sshll.u32 s1, $0x11  }
0xbc: {  	s0 =	sor.u32 s1, s0  }
0xbd: {  	s0 =	sadd.s32 $0x8F2B, s0  }
0xbe: {  	[sflag:s0] =	ssyncadd.remote.s32 $0x1  }
0xbf: {  	_ =	sfence.sel $0xFFFF  }
0xc0: {  	[dreg:$0x0] =	wrdreg $0xFFFFFFFF;
	(pc) =	sbr.abs _section_cstart, $3  }
0xc1: {  	[dreg:$0x1] =	wrdreg $0xFFFFFFFF  }
0xc2: {  	_ =	task.clear_ibuf [dreg:s7], $0x2FFFF;
	_ =	strace $0x9FFFFFFF  }
0xc3: {  	(tm) =	ssettm $0x7FFFFFFF  }
tec
execute0_lowered:
.L_overlay_start_1:
0x0: {  	(tag) =	ssettag $0x1  }
0x1: {  	s5 =	rddreg [dreg:$0x0]  }
0x2: {  	s1 =	srdreg.scid;
	s2 =	rddreg [dreg:$0x1]  }
0x3: {  	s0 =	stileid.u32;
	s3 =	rddreg [dreg:$0x2];
	s4 =	simm.s32 $0x0  }
0x4: {  	s13 =	simm.s32 $0x80;
	s14 =	simm.s32 $0x0;
	s6 =	sand.u32 $0x1, s1  }
0x5: {  	s30 =	sshll.u32 s0, $0x1;
	s8 =	smul.u32 $0x13C0, s0;
	[smem:$0x7FF] =	sst s4  }
0x6: {  	s31 =	sshll.u32 s0, $0x6;
	s1 =	sor.u32 s6, s30;
	s9 =	smul.u32 $0x13C00, s6  }
0x7: {  	s6 =	ssub.s32 $0x2, s6;
	s7 =	smul.u32 $0x500, s1;
	s1 =	rddreg [dreg:$0x3]  }
0x8: {  	_ =	strace $0x80000047;
	s10 =	sshrl.u32 s8, $0x3;
	s11 =	sshrl.u32 s6, $0x1  }
0x9: {  	s12 =	sadd.s32 s8, s3;
	s9 =	sadd.s32 s8, s9;
	s10 =	sadd.s32 s10, s5  }
0xa: {  	s11 =	ssub.s32 s6, s11;
	s12 =	sshrl.u32 s12, $0x3;
	s7 =	sadd.s32 s7, s5  }
0xb: {  	s9 =	sshrl.u32 s9, $0x3;
	s6 =	sadd.s32 $0xB600, s10;
	s8 =	smax.u32 s11, $0x1  }
0xc: {  	s10 =	simm.s32 $0x2800;
	s11 =	sor.u32 $0x1C01, s31;
	s9 =	sadd.s32 s9, s5  }
0xd: {  	s5 =	sadd.s32 $0x1600, s7;
	s7 =	sadd.s32 $0xDE00, s9;
	s9 =	simm.s32 $0x1  }
.LBB2_1:
0xe: {  	[tilespmem:s4], [sflag:$0x1] =	stream.linear.gather [hbm4b:s5+s4], $0x2800, $0x38;
	[tilespmem:$0x3FC0] =	vst v63  }
0xf: {  	_ =	swait.ge [sflag:s9], $0x2800  }
0x10: {  	[sflag:s9] =	ssyncset.done $0x0  }
0x11: {  	[sflag:s9] =	ssyncadd.s32 $0xFFFFD800  }
0x12: {  	[tilespmem:s10], [sflag:$0x1] =	stream.linear.gather [hbm4b:s2+s4], $0x400, $0x38;
	[tilespmem:$0x3FC0] =	vst v63  }
0x13: {  	_ =	swait.ge [sflag:s9], $0x400  }
0x14: {  	[sflag:s9] =	ssyncset.done $0x0  }
0x15: {  	[sflag:s9] =	ssyncadd.s32 $0xFFFFFC00  }
0x16: {  	[spmem:s12], [sflag:s11] =	dma.local [hbm:s6], $0x278  }
0x17: {  	_ =	swait.ge [sflag:s9], $0x278  }
0x18: {  	[sflag:s9] =	ssyncset.done $0x0  }
0x19: {  	[sflag:s9] =	ssyncadd.s32 $0xFFFFFD88  }
0x1a: {  	s15 =	simm.s32 $0x0;
	[bflag:$0x0] =	sbarrier.arrive $0xFFFF  }
0x1b: {  	[spmem:s3] =	stream.indirect.scatter.add.f32 [tilespmem:s10], [sflag:$0x1], $0x8, s15, s13, $0xb8;
	[tilespmem:$0x3FC0] =	vst v63  }
0x1c: {  	_ =	swait.ge [sflag:s9], $0x400  }
0x1d: {  	s15 =	simm.s32 $0x200;
	[sflag:s9] =	ssyncset.done $0x0  }
.LBB2_2:
0x1e: {  	s16 =	sshra.s32 s15, $0x2;
	[sflag:s9] =	ssyncadd.s32 $0xFFFFFC00;
	p0 =	sne.s32 s15, $0x9E00  }
0x1f: {  	[spmem:s3] =	stream.indirect.scatter.add.f32 [tilespmem:s10], [sflag:$0x1], $0x8, s16, s13, $0xb8;
	[tilespmem:$0x3FC0] =	vst v63  }
.Ltmp0:
0x20: {  	_ = 	snop;
	(pc) =	sbr.rel @p0 .LBB2_2-.Ltmp0, $4  }
0x21: {  	_ = 	snop  }
0x22: {  	s15 =	sadd.s32 $0x200, s15  }
0x23: {  	_ =	swait.ge [sflag:s9], $0x400  }
0x24: {  	[sflag:s9] =	ssyncset.done $0x0  }
0x25: {  	s14 =	sadd.s32 $0x1, s14  }
0x26: {  	[sflag:s9] =	ssyncadd.s32 $0xFFFFFC00;
	p0 =	sne.s32 s14, s8  }
.Ltmp1:
0x27: {  	[bflag:$0x0] =	sbarrier.arrive $0xFFFF;
	(pc) =	sbr.rel @p0 .LBB2_1-.Ltmp1, $4  }
0x28: {  	[hbm:s7], [sflag:s11] =	dma.local [spmem:s12], $0x278  }
0x29: {  	_ =	swait.ge [sflag:s9], $0x278  }
0x2a: {  	[sflag:s9] =	ssyncset.done $0x0  }
0x2b: {  	[sflag:s9] =	ssyncadd.s32 $0xFFFFFD88  }
0x2c: {  	_ =	sfence.sel $0x180000  }
0x2d: {  	[bflag:$0x0] =	sbarrier.arrive $0xFFFF  }
0x2e: {  	p0 =	sne.s32 s0, $0x0;
	_ =	strace $0x90000047  }
0x2f: {  	s0 =	sadd.s32 @!p0 $0x100000, s1;
	[bflag:$0x2] =	sbarrier.arrive $0xFFFF  }
0x30: {  	[sflag:s0] =	ssyncadd.tile.s32 @!p0 $0x1;
	_ =	shalt  }
.Lfunc_end2:
_tile_overlayer_lowered:
.L_overlay_start_2:
0x31: {  	(tag) =	ssettag $0x2  }
0x32: {  	s0 =	rddreg [dreg:$0x0];
	s2 =	stileid.u32  }
0x33: {  	s1 =	rddreg [dreg:$0x1];
	p0 =	sne.s32 s2, $0x0  }
0x34: {  	s3 =	rddreg [dreg:$0x2];
	[bflag:$0x3] =	sbarrier.arrive $0xFFFF;
	s2 =	simm.s32 @!p0 $0x1C01  }
0x35: {  	[timem:s3], [sflag:s2] =	dma.local @!p0 [hbm:s0], s1  }
0x36: {  	s0 =	simm.s32 @!p0 $0x1  }
0x37: {  	_ =	swait.ge @!p0 [sflag:s0], s1  }
0x38: {  	s1 =	ssub.s32 @!p0 $0x0, s1;
	[sflag:s0] =	ssyncset.done @!p0 $0x0  }
0x39: {  	[sflag:s0] =	ssyncadd.s32 @!p0 s1  }
0x3a: {  	[bflag:$0x3] =	sbarrier.arrive $0xFFFF  }
0x3b: {  	_ =	shalt  }

</sc_bundles>
